<compile_context>
chip_gen: v7x
topology: tpu7x:2x2x1
jax: 0.10.2.dev20260603
libtpu: 0.0.44.dev20260713+nightly
codegen_flags: <defaults>
</compile_context>

<pallas_src>
import dataclasses
import functools

import jax
import jax.numpy as jnp
from jax import lax
from jax.experimental import pallas as pl
from jax.experimental.pallas import tpu as pltpu
from jax.experimental.pallas import tpu_sc as plsc

POOL = 7
NC = 2
NS = 16
NW = NC * NS
LANES = 16
CH = 32


def _build_sc_kernel(n_rows, depth, s_out, s_pad, chunks_per_tile):
    per_tile = s_pad // NW
    d2 = 2 * depth
    last_cb = s_out - CH

    cp = pltpu.CompilerParams()
    if "needs_layout_passes" in pltpu.CompilerParams.__dataclass_fields__:
        cp = dataclasses.replace(cp, needs_layout_passes=False)

    @functools.partial(
        pl.kernel,
        mesh=plsc.VectorSubcoreMesh(core_axis_name="c", subcore_axis_name="s"),
        compiler_params=cp,
        out_type=jax.ShapeDtypeStruct((s_out, depth), jnp.float32),
        scratch_types=[
            pltpu.VMEM((per_tile,), jnp.int32),
            pltpu.VMEM((per_tile,), jnp.int32),
            pltpu.VMEM((per_tile,), jnp.float32),
            pltpu.VMEM((per_tile,), jnp.float32),
            pltpu.VMEM((per_tile,), jnp.float32),
            pltpu.VMEM((per_tile,), jnp.float32),
            pltpu.VMEM((2, CH, depth), jnp.int32),
            pltpu.VMEM((2, CH, depth), jnp.int32),
            pltpu.VMEM((2, CH, depth), jnp.float32),
            pltpu.SemaphoreType.DMA,
            pltpu.SemaphoreType.DMA,
        ],
    )
    def sc_kernel(table_hbm, idxt_hbm, idxb_hbm, w00_hbm, w01_hbm, w10_hbm,
                  w11_hbm, out_hbm, idxt_v, idxb_v, w00_v, w01_v, w10_v, w11_v,
                  top_v, bot_v, out_v, gsem, osem):
        wid = lax.axis_index("s") * NC + lax.axis_index("c")
        base = wid * per_tile
        pltpu.sync_copy(idxt_hbm.at[wid], idxt_v)
        pltpu.sync_copy(idxb_hbm.at[wid], idxb_v)
        pltpu.sync_copy(w00_hbm.at[wid], w00_v)
        pltpu.sync_copy(w01_hbm.at[wid], w01_v)
        pltpu.sync_copy(w10_hbm.at[wid], w10_v)
        pltpu.sync_copy(w11_hbm.at[wid], w11_v)

        def issue_gathers(g, b):
            sl = pl.ds(g * CH, CH)
            pltpu.async_copy(table_hbm.at[idxt_v.at[sl]], top_v.at[b], gsem)
            pltpu.async_copy(table_hbm.at[idxb_v.at[sl]], bot_v.at[b], gsem)

        def wait_gathers(b):
            dummy = table_hbm.at[pl.ds(0, CH)]
            pltpu.make_async_copy(dummy, top_v.at[b], gsem).wait()
            pltpu.make_async_copy(dummy, bot_v.at[b], gsem).wait()

        def wait_store(b):
            pltpu.make_async_copy(
                out_v.at[b], out_hbm.at[pl.ds(0, CH)], osem).wait()

        issue_gathers(0, 0)

        @pl.loop(0, chunks_per_tile)
        def _chunk(g):
            b = lax.rem(g, 2)
            cb = jnp.minimum(base + g * CH, last_cb)

            @pl.when(g + 1 < chunks_per_tile)
            def _():
                issue_gathers(g + 1, 1 - b)

            wait_gathers(b)

            @pl.when(g >= 2)
            def _():
                wait_store(b)

            @pl.loop(0, CH)
            def _sample(i):
                sv = jnp.full((LANES,), g * CH + i, jnp.int32)
                w00 = plsc.load_gather(w00_v, [sv])
                w01 = plsc.load_gather(w01_v, [sv])
                w10 = plsc.load_gather(w10_v, [sv])
                w11 = plsc.load_gather(w11_v, [sv])

                for q in range(depth // (2 * LANES)):
                    c = q * 2 * LANES

                    def pair(ref):
                        v = plsc.bitcast(ref, jnp.bfloat16)
                        return plsc.unpack(
                            v, format=plsc.PackFormat.INTERLEAVED)

                    tlv = pair(top_v[b, i, pl.ds(q * LANES, LANES)])
                    trv = pair(top_v[b, i, pl.ds(depth // 2 + q * LANES, LANES)])
                    blv = pair(bot_v[b, i, pl.ds(q * LANES, LANES)])
                    brv = pair(bot_v[b, i, pl.ds(depth // 2 + q * LANES, LANES)])
                    out_v[b, i, pl.ds(c, LANES)] = (
                        w00 * tlv[0] + w01 * trv[0] +
                        w10 * blv[0] + w11 * brv[0])
                    out_v[b, i, pl.ds(c + LANES, LANES)] = (
                        w00 * tlv[1] + w01 * trv[1] +
                        w10 * blv[1] + w11 * brv[1])

            pltpu.async_copy(out_v.at[b], out_hbm.at[pl.ds(cb, CH)], osem)

        wait_store(0)
        wait_store(1)

    return sc_kernel


def _tc_relayout(flat_out, B, NB, C):
    BB = 40
    nblk = NB // BB

    def body(x_ref, o_ref):
        o_ref[...] = x_ref[...].reshape(o_ref.shape)

    return pl.pallas_call(
        body,
        grid=(B * nblk,),
        in_specs=[pl.BlockSpec((BB * POOL * POOL, C), lambda i: (i, 0))],
        out_specs=pl.BlockSpec((1, BB, POOL, POOL, C),
                               lambda i: (i // nblk, i % nblk, 0, 0, 0)),
        out_shape=jax.ShapeDtypeStruct((B, NB, POOL, POOL, C), jnp.float32),
    )(flat_out)


def kernel(inputs, proposals):
    B, H, W, C = inputs.shape
    NB = proposals.shape[1]
    n = B * NB

    boxes = proposals.reshape(-1, 4)
    y1, x1, y2, x2 = boxes[:, 0], boxes[:, 1], boxes[:, 2], boxes[:, 3]
    grid = jnp.arange(POOL, dtype=jnp.float32)
    h_scale = (y2 - y1) * (H - 1) / (POOL - 1)
    w_scale = (x2 - x1) * (W - 1) / (POOL - 1)
    in_y = y1[:, None] * (H - 1) + grid[None, :] * h_scale[:, None]
    in_x = x1[:, None] * (W - 1) + grid[None, :] * w_scale[:, None]
    valid_y = (in_y >= 0) & (in_y <= H - 1)
    valid_x = (in_x >= 0) & (in_x <= W - 1)
    top_y = jnp.floor(in_y)
    left_x = jnp.floor(in_x)
    yl = in_y - top_y
    xl = in_x - left_x
    ti = jnp.clip(top_y, 0, H - 1).astype(jnp.int32)
    bi = jnp.clip(jnp.ceil(in_y), 0, H - 1).astype(jnp.int32)
    li = jnp.clip(left_x, 0, W - 1).astype(jnp.int32)

    bflat = (jnp.arange(n, dtype=jnp.int32) // NB) * (H * W)
    idx_t = bflat[:, None, None] + ti[:, :, None] * W + li[:, None, :]
    idx_b = bflat[:, None, None] + bi[:, :, None] * W + li[:, None, :]

    v = (valid_y[:, :, None] & valid_x[:, None, :]).astype(jnp.float32)
    ylc = yl[:, :, None]
    xlc = xl[:, None, :]
    w00 = (1.0 - ylc) * (1.0 - xlc) * v
    w01 = (1.0 - ylc) * xlc * v
    w10 = ylc * (1.0 - xlc) * v
    w11 = ylc * xlc * v

    s = n * POOL * POOL
    s_pad = ((s + NW * CH - 1) // (NW * CH)) * (NW * CH)
    chunks_per_tile = s_pad // NW // CH
    per_tile = s_pad // NW

    n_id = (s - CH) // CH + 1
    rep = s_pad // CH - n_id

    def tiled(a):
        a = a.reshape(-1)
        a = jnp.concatenate([a[:n_id * CH], jnp.tile(a[s - CH:s], rep)])
        return a.reshape(NW, per_tile)

    p = jnp.arange(C)
    ch_perm = (p // 32) * 32 + (p % 2) * 16 + (p % 32) // 2
    flat = inputs.reshape(B * H * W, C)[:, ch_perm]
    table = jnp.concatenate(
        [flat, jnp.roll(flat, -1, axis=0)], axis=1).astype(jnp.bfloat16)
    table = jax.lax.bitcast_convert_type(
        table.reshape(B * H * W, C, 2), jnp.int32)

    sc_kernel = _build_sc_kernel(B * H * W, C, s, s_pad, chunks_per_tile)
    out = sc_kernel(table, tiled(idx_t), tiled(idx_b),
                    tiled(w00), tiled(w01), tiled(w10), tiled(w11))
    return _tc_relayout(out, B, NB, C)

# --- scband reference (transcript-rebuilt; emitter-appended) ---
"""Pipeline reference for scband-single-level-aligned-ro-ipooling-31705448579246 (READ-ONLY COPY).

The authoritative reference and input builder live on the scoring server;
editing this copy changes nothing except your own understanding.
"""

import jax, jax.numpy as jnp
import numpy as np

POOLED_SIZE = 7


def _get_box_indices(batch_size, num_boxes):
    indices = jnp.tile(jnp.arange(batch_size)[:, None], (1, num_boxes))
    return jnp.reshape(indices, (-1,))


def _crop_and_resize(image, boxes, box_indices, crop_size):
    # Faithful port of tf.image.crop_and_resize (bilinear, extrapolation_value=0)
    H = image.shape[1]
    W = image.shape[2]
    ch, cw = crop_size
    y1, x1, y2, x2 = boxes[:, 0], boxes[:, 1], boxes[:, 2], boxes[:, 3]
    ys = jnp.arange(ch, dtype=jnp.float32)
    xs = jnp.arange(cw, dtype=jnp.float32)
    h_scale = (y2 - y1) * (H - 1) / (ch - 1)
    w_scale = (x2 - x1) * (W - 1) / (cw - 1)
    in_y = y1[:, None] * (H - 1) + ys[None, :] * h_scale[:, None]  # [N, ch]
    in_x = x1[:, None] * (W - 1) + xs[None, :] * w_scale[:, None]  # [N, cw]
    valid_y = (in_y >= 0) & (in_y <= H - 1)
    valid_x = (in_x >= 0) & (in_x <= W - 1)
    top_y = jnp.floor(in_y)
    bot_y = jnp.ceil(in_y)
    left_x = jnp.floor(in_x)
    right_x = jnp.ceil(in_x)
    y_lerp = in_y - top_y
    x_lerp = in_x - left_x
    ti = jnp.clip(top_y, 0, H - 1).astype(jnp.int32)
    bi = jnp.clip(bot_y, 0, H - 1).astype(jnp.int32)
    li = jnp.clip(left_x, 0, W - 1).astype(jnp.int32)
    ri = jnp.clip(right_x, 0, W - 1).astype(jnp.int32)
    b = box_indices[:, None, None]
    tl = image[b, ti[:, :, None], li[:, None, :], :]  # [N, ch, cw, C]
    tr = image[b, ti[:, :, None], ri[:, None, :], :]
    bl = image[b, bi[:, :, None], li[:, None, :], :]
    br = image[b, bi[:, :, None], ri[:, None, :], :]
    xl = x_lerp[:, None, :, None]
    top = tl + (tr - tl) * xl
    bottom = bl + (br - bl) * xl
    out = top + (bottom - top) * y_lerp[:, :, None, None]
    mask = (valid_y[:, :, None] & valid_x[:, None, :])[..., None]
    return jnp.where(mask, out, jnp.zeros_like(out))


def setup_inputs(seed: int = 0) -> dict:
    key = jax.random.key(seed)
    k1, k2 = jax.random.split(key)
    inputs = jax.random.normal(k1, (2, 32, 32, 256), dtype=jnp.float32)
    proposals = jax.random.uniform(k2, (2, 1000, 4), dtype=jnp.float32)
    return {"inputs": inputs, "proposals": proposals}


def reference(inputs, proposals):
    batch_size = proposals.shape[0]
    num_boxes = proposals.shape[1]
    depth = inputs.shape[3]
    boxes = jnp.reshape(proposals, (-1, 4))
    box_indices = _get_box_indices(batch_size, num_boxes)
    pooled = _crop_and_resize(inputs, boxes, box_indices, (POOLED_SIZE, POOLED_SIZE))
    return jnp.reshape(pooled, (batch_size, num_boxes, POOLED_SIZE, POOLED_SIZE, depth))

if __name__ == "__main__":
    import jax
    _d = setup_inputs()
    print(jax.jit(kernel)(*tuple(_d.values())))

</pallas_src>

<mosaic_0001>
#map = affine_map<(d0, d1) -> (0, 0)>
module attributes {stable_mosaic.version = 14 : i64} {
  func.func @sc_kernel(%arg0: i32, %arg1: i32, %arg2: memref<2048x256xi32, #tpu.memory_space<hbm>>, %arg3: memref<32x3072xi32, #tpu.memory_space<hbm>>, %arg4: memref<32x3072xi32, #tpu.memory_space<hbm>>, %arg5: memref<32x3072xf32, #tpu.memory_space<hbm>>, %arg6: memref<32x3072xf32, #tpu.memory_space<hbm>>, %arg7: memref<32x3072xf32, #tpu.memory_space<hbm>>, %arg8: memref<32x3072xf32, #tpu.memory_space<hbm>>, %arg9: memref<98000x256xf32, #tpu.memory_space<hbm>>, %arg10: memref<3072xi32, #tpu.memory_space<vmem>>, %arg11: memref<3072xi32, #tpu.memory_space<vmem>>, %arg12: memref<3072xf32, #tpu.memory_space<vmem>>, %arg13: memref<3072xf32, #tpu.memory_space<vmem>>, %arg14: memref<3072xf32, #tpu.memory_space<vmem>>, %arg15: memref<3072xf32, #tpu.memory_space<vmem>>, %arg16: memref<2x32x256xi32, #tpu.memory_space<vmem>>, %arg17: memref<2x32x256xi32, #tpu.memory_space<vmem>>, %arg18: memref<2x32x256xf32, #tpu.memory_space<vmem>>, %arg19: memref<!tpu.dma_semaphore, #tpu.memory_space<semaphore_mem>>, %arg20: memref<!tpu.dma_semaphore, #tpu.memory_space<semaphore_mem>>) attributes {dimension_semantics = [#tpu.dimension_semantics<core_parallel>, #tpu.dimension_semantics<subcore_parallel>], iteration_bounds = array<i64: 2, 16>, scalar_prefetch = 0 : i64, scratch_operands = 11 : i64, tpu.core_type = #tpu.core_type<sc_vector_subcore>, window_params = [{transform_indices = #map}, {transform_indices = #map}, {transform_indices = #map}, {transform_indices = #map}, {transform_indices = #map}, {transform_indices = #map}, {transform_indices = #map}, {transform_indices = #map}]} {
    %mul3A = arith.constant 2 : i32
    %mul3A_0 = arith.muli %arg1, %mul3A : i32
    %add3A = arith.addi %mul3A_0, %arg0 : i32
    %mul3A_1 = arith.constant 3072 : i32
    %mul3A_2 = arith.muli %add3A, %mul3A_1 : i32
    "tpu.region"() ({
      %run_scoped3A = tpu.sem_alloc : memref<!tpu.dma_semaphore, #tpu.memory_space<semaphore_mem>>
      %dma_start3A_55 = arith.constant 0 : i32
      %dma_start3A_56 = tpu.memref_slice %arg3[%add3A, %dma_start3A_55] : memref<32x3072xi32, #tpu.memory_space<hbm>> -> memref<1x3072xi32, #tpu.memory_space<hbm>>
      %dma_start3A_57 = tpu.memref_squeeze %dma_start3A_56 : memref<1x3072xi32, #tpu.memory_space<hbm>> -> memref<3072xi32, #tpu.memory_space<hbm>>
      %dma_start3A_58 = arith.constant 0 : i32
      %dma_start3A_59 = tpu.memref_slice %arg3[%add3A, %dma_start3A_58] : memref<32x3072xi32, #tpu.memory_space<hbm>> -> memref<1x3072xi32, #tpu.memory_space<hbm>>
      %dma_start3A_60 = tpu.memref_squeeze %dma_start3A_59 : memref<1x3072xi32, #tpu.memory_space<hbm>> -> memref<3072xi32, #tpu.memory_space<hbm>>
      tpu.enqueue_dma source(%dma_start3A_60 : memref<3072xi32, #tpu.memory_space<hbm>>) target(%arg10 : memref<3072xi32, #tpu.memory_space<vmem>>) target_semaphore(%run_scoped3A : memref<!tpu.dma_semaphore, #tpu.memory_space<semaphore_mem>>)
      %dma_wait3A_61 = arith.constant 0 : i32
      %dma_wait3A_62 = tpu.memref_slice %arg3[%add3A, %dma_wait3A_61] : memref<32x3072xi32, #tpu.memory_space<hbm>> -> memref<1x3072xi32, #tpu.memory_space<hbm>>
      %dma_wait3A_63 = tpu.memref_squeeze %dma_wait3A_62 : memref<1x3072xi32, #tpu.memory_space<hbm>> -> memref<3072xi32, #tpu.memory_space<hbm>>
      %dma_wait3A_64 = arith.constant 0 : i32
      %dma_wait3A_65 = tpu.memref_slice %arg3[%add3A, %dma_wait3A_64] : memref<32x3072xi32, #tpu.memory_space<hbm>> -> memref<1x3072xi32, #tpu.memory_space<hbm>>
      %dma_wait3A_66 = tpu.memref_squeeze %dma_wait3A_65 : memref<1x3072xi32, #tpu.memory_space<hbm>> -> memref<3072xi32, #tpu.memory_space<hbm>>
      tpu.wait_dma2 semaphore(%run_scoped3A : memref<!tpu.dma_semaphore, #tpu.memory_space<semaphore_mem>>) src(%dma_wait3A_66 : memref<3072xi32, #tpu.memory_space<hbm>>) dst(%arg10 : memref<3072xi32, #tpu.memory_space<vmem>>)
      tpu.yield
    }) : () -> ()
    "tpu.region"() ({
      %run_scoped3A = tpu.sem_alloc : memref<!tpu.dma_semaphore, #tpu.memory_space<semaphore_mem>>
      %dma_start3A_55 = arith.constant 0 : i32
      %dma_start3A_56 = tpu.memref_slice %arg4[%add3A, %dma_start3A_55] : memref<32x3072xi32, #tpu.memory_space<hbm>> -> memref<1x3072xi32, #tpu.memory_space<hbm>>
      %dma_start3A_57 = tpu.memref_squeeze %dma_start3A_56 : memref<1x3072xi32, #tpu.memory_space<hbm>> -> memref<3072xi32, #tpu.memory_space<hbm>>
      %dma_start3A_58 = arith.constant 0 : i32
      %dma_start3A_59 = tpu.memref_slice %arg4[%add3A, %dma_start3A_58] : memref<32x3072xi32, #tpu.memory_space<hbm>> -> memref<1x3072xi32, #tpu.memory_space<hbm>>
      %dma_start3A_60 = tpu.memref_squeeze %dma_start3A_59 : memref<1x3072xi32, #tpu.memory_space<hbm>> -> memref<3072xi32, #tpu.memory_space<hbm>>
      tpu.enqueue_dma source(%dma_start3A_60 : memref<3072xi32, #tpu.memory_space<hbm>>) target(%arg11 : memref<3072xi32, #tpu.memory_space<vmem>>) target_semaphore(%run_scoped3A : memref<!tpu.dma_semaphore, #tpu.memory_space<semaphore_mem>>)
      %dma_wait3A_61 = arith.constant 0 : i32
      %dma_wait3A_62 = tpu.memref_slice %arg4[%add3A, %dma_wait3A_61] : memref<32x3072xi32, #tpu.memory_space<hbm>> -> memref<1x3072xi32, #tpu.memory_space<hbm>>
      %dma_wait3A_63 = tpu.memref_squeeze %dma_wait3A_62 : memref<1x3072xi32, #tpu.memory_space<hbm>> -> memref<3072xi32, #tpu.memory_space<hbm>>
      %dma_wait3A_64 = arith.constant 0 : i32
      %dma_wait3A_65 = tpu.memref_slice %arg4[%add3A, %dma_wait3A_64] : memref<32x3072xi32, #tpu.memory_space<hbm>> -> memref<1x3072xi32, #tpu.memory_space<hbm>>
      %dma_wait3A_66 = tpu.memref_squeeze %dma_wait3A_65 : memref<1x3072xi32, #tpu.memory_space<hbm>> -> memref<3072xi32, #tpu.memory_space<hbm>>
      tpu.wait_dma2 semaphore(%run_scoped3A : memref<!tpu.dma_semaphore, #tpu.memory_space<semaphore_mem>>) src(%dma_wait3A_66 : memref<3072xi32, #tpu.memory_space<hbm>>) dst(%arg11 : memref<3072xi32, #tpu.memory_space<vmem>>)
      tpu.yield
    }) : () -> ()
    "tpu.region"() ({
      %run_scoped3A = tpu.sem_alloc : memref<!tpu.dma_semaphore, #tpu.memory_space<semaphore_mem>>
      %dma_start3A_55 = arith.constant 0 : i32
      %dma_start3A_56 = tpu.memref_slice %arg5[%add3A, %dma_start3A_55] : memref<32x3072xf32, #tpu.memory_space<hbm>> -> memref<1x3072xf32, #tpu.memory_space<hbm>>
      %dma_start3A_57 = tpu.memref_squeeze %dma_start3A_56 : memref<1x3072xf32, #tpu.memory_space<hbm>> -> memref<3072xf32, #tpu.memory_space<hbm>>
      %dma_start3A_58 = arith.constant 0 : i32
      %dma_start3A_59 = tpu.memref_slice %arg5[%add3A, %dma_start3A_58] : memref<32x3072xf32, #tpu.memory_space<hbm>> -> memref<1x3072xf32, #tpu.memory_space<hbm>>
      %dma_start3A_60 = tpu.memref_squeeze %dma_start3A_59 : memref<1x3072xf32, #tpu.memory_space<hbm>> -> memref<3072xf32, #tpu.memory_space<hbm>>
      tpu.enqueue_dma source(%dma_start3A_60 : memref<3072xf32, #tpu.memory_space<hbm>>) target(%arg12 : memref<3072xf32, #tpu.memory_space<vmem>>) target_semaphore(%run_scoped3A : memref<!tpu.dma_semaphore, #tpu.memory_space<semaphore_mem>>)
      %dma_wait3A_61 = arith.constant 0 : i32
      %dma_wait3A_62 = tpu.memref_slice %arg5[%add3A, %dma_wait3A_61] : memref<32x3072xf32, #tpu.memory_space<hbm>> -> memref<1x3072xf32, #tpu.memory_space<hbm>>
      %dma_wait3A_63 = tpu.memref_squeeze %dma_wait3A_62 : memref<1x3072xf32, #tpu.memory_space<hbm>> -> memref<3072xf32, #tpu.memory_space<hbm>>
      %dma_wait3A_64 = arith.constant 0 : i32
      %dma_wait3A_65 = tpu.memref_slice %arg5[%add3A, %dma_wait3A_64] : memref<32x3072xf32, #tpu.memory_space<hbm>> -> memref<1x3072xf32, #tpu.memory_space<hbm>>
      %dma_wait3A_66 = tpu.memref_squeeze %dma_wait3A_65 : memref<1x3072xf32, #tpu.memory_space<hbm>> -> memref<3072xf32, #tpu.memory_space<hbm>>
      tpu.wait_dma2 semaphore(%run_scoped3A : memref<!tpu.dma_semaphore, #tpu.memory_space<semaphore_mem>>) src(%dma_wait3A_66 : memref<3072xf32, #tpu.memory_space<hbm>>) dst(%arg12 : memref<3072xf32, #tpu.memory_space<vmem>>)
      tpu.yield
    }) : () -> ()
    "tpu.region"() ({
      %run_scoped3A = tpu.sem_alloc : memref<!tpu.dma_semaphore, #tpu.memory_space<semaphore_mem>>
      %dma_start3A_55 = arith.constant 0 : i32
      %dma_start3A_56 = tpu.memref_slice %arg6[%add3A, %dma_start3A_55] : memref<32x3072xf32, #tpu.memory_space<hbm>> -> memref<1x3072xf32, #tpu.memory_space<hbm>>
      %dma_start3A_57 = tpu.memref_squeeze %dma_start3A_56 : memref<1x3072xf32, #tpu.memory_space<hbm>> -> memref<3072xf32, #tpu.memory_space<hbm>>
      %dma_start3A_58 = arith.constant 0 : i32
      %dma_start3A_59 = tpu.memref_slice %arg6[%add3A, %dma_start3A_58] : memref<32x3072xf32, #tpu.memory_space<hbm>> -> memref<1x3072xf32, #tpu.memory_space<hbm>>
      %dma_start3A_60 = tpu.memref_squeeze %dma_start3A_59 : memref<1x3072xf32, #tpu.memory_space<hbm>> -> memref<3072xf32, #tpu.memory_space<hbm>>
      tpu.enqueue_dma source(%dma_start3A_60 : memref<3072xf32, #tpu.memory_space<hbm>>) target(%arg13 : memref<3072xf32, #tpu.memory_space<vmem>>) target_semaphore(%run_scoped3A : memref<!tpu.dma_semaphore, #tpu.memory_space<semaphore_mem>>)
      %dma_wait3A_61 = arith.constant 0 : i32
      %dma_wait3A_62 = tpu.memref_slice %arg6[%add3A, %dma_wait3A_61] : memref<32x3072xf32, #tpu.memory_space<hbm>> -> memref<1x3072xf32, #tpu.memory_space<hbm>>
      %dma_wait3A_63 = tpu.memref_squeeze %dma_wait3A_62 : memref<1x3072xf32, #tpu.memory_space<hbm>> -> memref<3072xf32, #tpu.memory_space<hbm>>
      %dma_wait3A_64 = arith.constant 0 : i32
      %dma_wait3A_65 = tpu.memref_slice %arg6[%add3A, %dma_wait3A_64] : memref<32x3072xf32, #tpu.memory_space<hbm>> -> memref<1x3072xf32, #tpu.memory_space<hbm>>
      %dma_wait3A_66 = tpu.memref_squeeze %dma_wait3A_65 : memref<1x3072xf32, #tpu.memory_space<hbm>> -> memref<3072xf32, #tpu.memory_space<hbm>>
      tpu.wait_dma2 semaphore(%run_scoped3A : memref<!tpu.dma_semaphore, #tpu.memory_space<semaphore_mem>>) src(%dma_wait3A_66 : memref<3072xf32, #tpu.memory_space<hbm>>) dst(%arg13 : memref<3072xf32, #tpu.memory_space<vmem>>)
      tpu.yield
    }) : () -> ()
    "tpu.region"() ({
      %run_scoped3A = tpu.sem_alloc : memref<!tpu.dma_semaphore, #tpu.memory_space<semaphore_mem>>
      %dma_start3A_55 = arith.constant 0 : i32
      %dma_start3A_56 = tpu.memref_slice %arg7[%add3A, %dma_start3A_55] : memref<32x3072xf32, #tpu.memory_space<hbm>> -> memref<1x3072xf32, #tpu.memory_space<hbm>>
      %dma_start3A_57 = tpu.memref_squeeze %dma_start3A_56 : memref<1x3072xf32, #tpu.memory_space<hbm>> -> memref<3072xf32, #tpu.memory_space<hbm>>
      %dma_start3A_58 = arith.constant 0 : i32
      %dma_start3A_59 = tpu.memref_slice %arg7[%add3A, %dma_start3A_58] : memref<32x3072xf32, #tpu.memory_space<hbm>> -> memref<1x3072xf32, #tpu.memory_space<hbm>>
      %dma_start3A_60 = tpu.memref_squeeze %dma_start3A_59 : memref<1x3072xf32, #tpu.memory_space<hbm>> -> memref<3072xf32, #tpu.memory_space<hbm>>
      tpu.enqueue_dma source(%dma_start3A_60 : memref<3072xf32, #tpu.memory_space<hbm>>) target(%arg14 : memref<3072xf32, #tpu.memory_space<vmem>>) target_semaphore(%run_scoped3A : memref<!tpu.dma_semaphore, #tpu.memory_space<semaphore_mem>>)
      %dma_wait3A_61 = arith.constant 0 : i32
      %dma_wait3A_62 = tpu.memref_slice %arg7[%add3A, %dma_wait3A_61] : memref<32x3072xf32, #tpu.memory_space<hbm>> -> memref<1x3072xf32, #tpu.memory_space<hbm>>
      %dma_wait3A_63 = tpu.memref_squeeze %dma_wait3A_62 : memref<1x3072xf32, #tpu.memory_space<hbm>> -> memref<3072xf32, #tpu.memory_space<hbm>>
      %dma_wait3A_64 = arith.constant 0 : i32
      %dma_wait3A_65 = tpu.memref_slice %arg7[%add3A, %dma_wait3A_64] : memref<32x3072xf32, #tpu.memory_space<hbm>> -> memref<1x3072xf32, #tpu.memory_space<hbm>>
      %dma_wait3A_66 = tpu.memref_squeeze %dma_wait3A_65 : memref<1x3072xf32, #tpu.memory_space<hbm>> -> memref<3072xf32, #tpu.memory_space<hbm>>
      tpu.wait_dma2 semaphore(%run_scoped3A : memref<!tpu.dma_semaphore, #tpu.memory_space<semaphore_mem>>) src(%dma_wait3A_66 : memref<3072xf32, #tpu.memory_space<hbm>>) dst(%arg14 : memref<3072xf32, #tpu.memory_space<vmem>>)
      tpu.yield
    }) : () -> ()
    "tpu.region"() ({
      %run_scoped3A = tpu.sem_alloc : memref<!tpu.dma_semaphore, #tpu.memory_space<semaphore_mem>>
      %dma_start3A_55 = arith.constant 0 : i32
      %dma_start3A_56 = tpu.memref_slice %arg8[%add3A, %dma_start3A_55] : memref<32x3072xf32, #tpu.memory_space<hbm>> -> memref<1x3072xf32, #tpu.memory_space<hbm>>
      %dma_start3A_57 = tpu.memref_squeeze %dma_start3A_56 : memref<1x3072xf32, #tpu.memory_space<hbm>> -> memref<3072xf32, #tpu.memory_space<hbm>>
      %dma_start3A_58 = arith.constant 0 : i32
      %dma_start3A_59 = tpu.memref_slice %arg8[%add3A, %dma_start3A_58] : memref<32x3072xf32, #tpu.memory_space<hbm>> -> memref<1x3072xf32, #tpu.memory_space<hbm>>
      %dma_start3A_60 = tpu.memref_squeeze %dma_start3A_59 : memref<1x3072xf32, #tpu.memory_space<hbm>> -> memref<3072xf32, #tpu.memory_space<hbm>>
      tpu.enqueue_dma source(%dma_start3A_60 : memref<3072xf32, #tpu.memory_space<hbm>>) target(%arg15 : memref<3072xf32, #tpu.memory_space<vmem>>) target_semaphore(%run_scoped3A : memref<!tpu.dma_semaphore, #tpu.memory_space<semaphore_mem>>)
      %dma_wait3A_61 = arith.constant 0 : i32
      %dma_wait3A_62 = tpu.memref_slice %arg8[%add3A, %dma_wait3A_61] : memref<32x3072xf32, #tpu.memory_space<hbm>> -> memref<1x3072xf32, #tpu.memory_space<hbm>>
      %dma_wait3A_63 = tpu.memref_squeeze %dma_wait3A_62 : memref<1x3072xf32, #tpu.memory_space<hbm>> -> memref<3072xf32, #tpu.memory_space<hbm>>
      %dma_wait3A_64 = arith.constant 0 : i32
      %dma_wait3A_65 = tpu.memref_slice %arg8[%add3A, %dma_wait3A_64] : memref<32x3072xf32, #tpu.memory_space<hbm>> -> memref<1x3072xf32, #tpu.memory_space<hbm>>
      %dma_wait3A_66 = tpu.memref_squeeze %dma_wait3A_65 : memref<1x3072xf32, #tpu.memory_space<hbm>> -> memref<3072xf32, #tpu.memory_space<hbm>>
      tpu.wait_dma2 semaphore(%run_scoped3A : memref<!tpu.dma_semaphore, #tpu.memory_space<semaphore_mem>>) src(%dma_wait3A_66 : memref<3072xf32, #tpu.memory_space<hbm>>) dst(%arg15 : memref<3072xf32, #tpu.memory_space<vmem>>)
      tpu.yield
    }) : () -> ()
    %dma_start3A = arith.constant 0 : i32
    %dma_start3A_3 = arith.constant 0 : i32
    %dma_start3A_4 = arith.constant 0 : i32
    %dma_start3A_5 = tpu.memref_slice %arg16[%dma_start3A, %dma_start3A_3, %dma_start3A_4] : memref<2x32x256xi32, #tpu.memory_space<vmem>> -> memref<1x32x256xi32, #tpu.memory_space<vmem>>
    %dma_start3A_6 = tpu.memref_squeeze %dma_start3A_5 : memref<1x32x256xi32, #tpu.memory_space<vmem>> -> memref<32x256xi32, #tpu.memory_space<vmem>>
    %dma_start3A_7 = arith.constant 0 : i32
    %dma_start3A_8 = tpu.memref_slice %arg10[%dma_start3A_7] : memref<3072xi32, #tpu.memory_space<vmem>> -> memref<32xi32, #tpu.memory_space<vmem>>
    %dma_start3A_9 = arith.constant 0 : i32
    %dma_start3A_10 = arith.constant 0 : i32
    %dma_start3A_11 = tpu.memref_slice %arg2[%dma_start3A_9, %dma_start3A_10] : memref<2048x256xi32, #tpu.memory_space<hbm>> -> memref<2048x256xi32, #tpu.memory_space<hbm>>
    tpu.enqueue_indirect_dma source(%dma_start3A_11 : memref<2048x256xi32, #tpu.memory_space<hbm>>) target(%dma_start3A_6 : memref<32x256xi32, #tpu.memory_space<vmem>>) offsets(%dma_start3A_8 : memref<32xi32, #tpu.memory_space<vmem>>) semaphore(%arg19 : memref<!tpu.dma_semaphore, #tpu.memory_space<semaphore_mem>>)
    %dma_start3A_12 = arith.constant 0 : i32
    %dma_start3A_13 = arith.constant 0 : i32
    %dma_start3A_14 = arith.constant 0 : i32
    %dma_start3A_15 = tpu.memref_slice %arg17[%dma_start3A_12, %dma_start3A_13, %dma_start3A_14] : memref<2x32x256xi32, #tpu.memory_space<vmem>> -> memref<1x32x256xi32, #tpu.memory_space<vmem>>
    %dma_start3A_16 = tpu.memref_squeeze %dma_start3A_15 : memref<1x32x256xi32, #tpu.memory_space<vmem>> -> memref<32x256xi32, #tpu.memory_space<vmem>>
    %dma_start3A_17 = arith.constant 0 : i32
    %dma_start3A_18 = tpu.memref_slice %arg11[%dma_start3A_17] : memref<3072xi32, #tpu.memory_space<vmem>> -> memref<32xi32, #tpu.memory_space<vmem>>
    %dma_start3A_19 = arith.constant 0 : i32
    %dma_start3A_20 = arith.constant 0 : i32
    %dma_start3A_21 = tpu.memref_slice %arg2[%dma_start3A_19, %dma_start3A_20] : memref<2048x256xi32, #tpu.memory_space<hbm>> -> memref<2048x256xi32, #tpu.memory_space<hbm>>
    tpu.enqueue_indirect_dma source(%dma_start3A_21 : memref<2048x256xi32, #tpu.memory_space<hbm>>) target(%dma_start3A_16 : memref<32x256xi32, #tpu.memory_space<vmem>>) offsets(%dma_start3A_18 : memref<32xi32, #tpu.memory_space<vmem>>) semaphore(%arg19 : memref<!tpu.dma_semaphore, #tpu.memory_space<semaphore_mem>>)
    %scan3A = arith.constant 0 : i32
    %scan3A_22 = arith.constant 96 : i32
    %scan3A_23 = arith.addi %scan3A, %scan3A_22 : i32
    %scan3A_24 = arith.constant 1 : i32
    scf.for %scan3A_55 = %scan3A to %scan3A_23 step %scan3A_24  : i32 {
      %mul3A_56 = arith.constant 1 : i32
      %mul3A_57 = arith.muli %scan3A_55, %mul3A_56 : i32
      %add3A_58 = arith.constant 0 : i32
      %add3A_59 = arith.addi %add3A_58, %mul3A_57 : i32
      %rem3A = arith.constant 2 : i32
      %rem3A_60 = arith.remsi %add3A_59, %rem3A : i32
      %mul3A_61 = arith.constant 32 : i32
      %mul3A_62 = arith.muli %add3A_59, %mul3A_61 : i32
      %add3A_63 = arith.addi %mul3A_2, %mul3A_62 : i32
      %min3A = arith.constant 97968 : i32
      %min3A_64 = arith.minsi %add3A_63, %min3A : i32
      %add3A_65 = arith.constant 1 : i32
      %add3A_66 = arith.addi %add3A_59, %add3A_65 : i32
      %lt3A = arith.constant 96 : i32
      %lt3A_67 = arith.cmpi slt, %add3A_66, %lt3A : i32
      %convert_element_type3A = arith.extui %lt3A_67 : i1 to i32
      %cond3A = arith.constant 0 : i32
      %cond3A_68 = arith.cmpi ne, %convert_element_type3A, %cond3A : i32
      scf.if %cond3A_68 {
        %add3A_118 = arith.constant 1 : i32
        %add3A_119 = arith.addi %add3A_59, %add3A_118 : i32
        %sub3A = arith.constant 1 : i32
        %sub3A_120 = arith.subi %sub3A, %rem3A_60 : i32
        %mul3A_121 = arith.constant 32 : i32
        %mul3A_122 = arith.muli %add3A_119, %mul3A_121 : i32
        %dma_start3A_123 = arith.constant 0 : i32
        %dma_start3A_124 = arith.constant 0 : i32
        %dma_start3A_125 = tpu.memref_slice %arg16[%sub3A_120, %dma_start3A_123, %dma_start3A_124] : memref<2x32x256xi32, #tpu.memory_space<vmem>> -> memref<1x32x256xi32, #tpu.memory_space<vmem>>
        %dma_start3A_126 = tpu.memref_squeeze %dma_start3A_125 : memref<1x32x256xi32, #tpu.memory_space<vmem>> -> memref<32x256xi32, #tpu.memory_space<vmem>>
        %dma_start3A_127 = tpu.memref_slice %arg10[%mul3A_122] : memref<3072xi32, #tpu.memory_space<vmem>> -> memref<32xi32, #tpu.memory_space<vmem>>
        %dma_start3A_128 = arith.constant 0 : i32
        %dma_start3A_129 = arith.constant 0 : i32
        %dma_start3A_130 = tpu.memref_slice %arg2[%dma_start3A_128, %dma_start3A_129] : memref<2048x256xi32, #tpu.memory_space<hbm>> -> memref<2048x256xi32, #tpu.memory_space<hbm>>
        tpu.enqueue_indirect_dma source(%dma_start3A_130 : memref<2048x256xi32, #tpu.memory_space<hbm>>) target(%dma_start3A_126 : memref<32x256xi32, #tpu.memory_space<vmem>>) offsets(%dma_start3A_127 : memref<32xi32, #tpu.memory_space<vmem>>) semaphore(%arg19 : memref<!tpu.dma_semaphore, #tpu.memory_space<semaphore_mem>>)
        %dma_start3A_131 = arith.constant 0 : i32
        %dma_start3A_132 = arith.constant 0 : i32
        %dma_start3A_133 = tpu.memref_slice %arg17[%sub3A_120, %dma_start3A_131, %dma_start3A_132] : memref<2x32x256xi32, #tpu.memory_space<vmem>> -> memref<1x32x256xi32, #tpu.memory_space<vmem>>
        %dma_start3A_134 = tpu.memref_squeeze %dma_start3A_133 : memref<1x32x256xi32, #tpu.memory_space<vmem>> -> memref<32x256xi32, #tpu.memory_space<vmem>>
        %dma_start3A_135 = tpu.memref_slice %arg11[%mul3A_122] : memref<3072xi32, #tpu.memory_space<vmem>> -> memref<32xi32, #tpu.memory_space<vmem>>
        %dma_start3A_136 = arith.constant 0 : i32
        %dma_start3A_137 = arith.constant 0 : i32
        %dma_start3A_138 = tpu.memref_slice %arg2[%dma_start3A_136, %dma_start3A_137] : memref<2048x256xi32, #tpu.memory_space<hbm>> -> memref<2048x256xi32, #tpu.memory_space<hbm>>
        tpu.enqueue_indirect_dma source(%dma_start3A_138 : memref<2048x256xi32, #tpu.memory_space<hbm>>) target(%dma_start3A_134 : memref<32x256xi32, #tpu.memory_space<vmem>>) offsets(%dma_start3A_135 : memref<32xi32, #tpu.memory_space<vmem>>) semaphore(%arg19 : memref<!tpu.dma_semaphore, #tpu.memory_space<semaphore_mem>>)
      } else {
      }
      %dma_wait3A_69 = arith.constant 0 : i32
      %dma_wait3A_70 = arith.constant 0 : i32
      %dma_wait3A_71 = tpu.memref_slice %arg16[%rem3A_60, %dma_wait3A_69, %dma_wait3A_70] : memref<2x32x256xi32, #tpu.memory_space<vmem>> -> memref<1x32x256xi32, #tpu.memory_space<vmem>>
      %dma_wait3A_72 = tpu.memref_squeeze %dma_wait3A_71 : memref<1x32x256xi32, #tpu.memory_space<vmem>> -> memref<32x256xi32, #tpu.memory_space<vmem>>
      %dma_wait3A_73 = arith.constant 0 : i32
      %dma_wait3A_74 = arith.constant 0 : i32
      %dma_wait3A_75 = tpu.memref_slice %arg2[%dma_wait3A_73, %dma_wait3A_74] : memref<2048x256xi32, #tpu.memory_space<hbm>> -> memref<32x256xi32, #tpu.memory_space<hbm>>
      %dma_wait3A_76 = arith.constant 0 : i32
      %dma_wait3A_77 = arith.constant 0 : i32
      %dma_wait3A_78 = tpu.memref_slice %arg16[%rem3A_60, %dma_wait3A_76, %dma_wait3A_77] : memref<2x32x256xi32, #tpu.memory_space<vmem>> -> memref<1x32x256xi32, #tpu.memory_space<vmem>>
      %dma_wait3A_79 = tpu.memref_squeeze %dma_wait3A_78 : memref<1x32x256xi32, #tpu.memory_space<vmem>> -> memref<32x256xi32, #tpu.memory_space<vmem>>
      %dma_wait3A_80 = arith.constant 0 : i32
      %dma_wait3A_81 = arith.constant 0 : i32
      %dma_wait3A_82 = tpu.memref_slice %arg2[%dma_wait3A_80, %dma_wait3A_81] : memref<2048x256xi32, #tpu.memory_space<hbm>> -> memref<32x256xi32, #tpu.memory_space<hbm>>
      tpu.wait_dma2 semaphore(%arg19 : memref<!tpu.dma_semaphore, #tpu.memory_space<semaphore_mem>>) src(%dma_wait3A_82 : memref<32x256xi32, #tpu.memory_space<hbm>>) dst(%dma_wait3A_79 : memref<32x256xi32, #tpu.memory_space<vmem>>)
      %dma_wait3A_83 = arith.constant 0 : i32
      %dma_wait3A_84 = arith.constant 0 : i32
      %dma_wait3A_85 = tpu.memref_slice %arg17[%rem3A_60, %dma_wait3A_83, %dma_wait3A_84] : memref<2x32x256xi32, #tpu.memory_space<vmem>> -> memref<1x32x256xi32, #tpu.memory_space<vmem>>
      %dma_wait3A_86 = tpu.memref_squeeze %dma_wait3A_85 : memref<1x32x256xi32, #tpu.memory_space<vmem>> -> memref<32x256xi32, #tpu.memory_space<vmem>>
      %dma_wait3A_87 = arith.constant 0 : i32
      %dma_wait3A_88 = arith.constant 0 : i32
      %dma_wait3A_89 = tpu.memref_slice %arg2[%dma_wait3A_87, %dma_wait3A_88] : memref<2048x256xi32, #tpu.memory_space<hbm>> -> memref<32x256xi32, #tpu.memory_space<hbm>>
      %dma_wait3A_90 = arith.constant 0 : i32
      %dma_wait3A_91 = arith.constant 0 : i32
      %dma_wait3A_92 = tpu.memref_slice %arg17[%rem3A_60, %dma_wait3A_90, %dma_wait3A_91] : memref<2x32x256xi32, #tpu.memory_space<vmem>> -> memref<1x32x256xi32, #tpu.memory_space<vmem>>
      %dma_wait3A_93 = tpu.memref_squeeze %dma_wait3A_92 : memref<1x32x256xi32, #tpu.memory_space<vmem>> -> memref<32x256xi32, #tpu.memory_space<vmem>>
      %dma_wait3A_94 = arith.constant 0 : i32
      %dma_wait3A_95 = arith.constant 0 : i32
      %dma_wait3A_96 = tpu.memref_slice %arg2[%dma_wait3A_94, %dma_wait3A_95] : memref<2048x256xi32, #tpu.memory_space<hbm>> -> memref<32x256xi32, #tpu.memory_space<hbm>>
      tpu.wait_dma2 semaphore(%arg19 : memref<!tpu.dma_semaphore, #tpu.memory_space<semaphore_mem>>) src(%dma_wait3A_96 : memref<32x256xi32, #tpu.memory_space<hbm>>) dst(%dma_wait3A_93 : memref<32x256xi32, #tpu.memory_space<vmem>>)
      %ge3A = arith.constant 2 : i32
      %ge3A_97 = arith.cmpi sge, %add3A_59, %ge3A : i32
      %convert_element_type3A_98 = arith.extui %ge3A_97 : i1 to i32
      %cond3A_99 = arith.constant 0 : i32
      %cond3A_100 = arith.cmpi ne, %convert_element_type3A_98, %cond3A_99 : i32
      scf.if %cond3A_100 {
        %dma_wait3A_118 = arith.constant 0 : i32
        %dma_wait3A_119 = arith.constant 0 : i32
        %dma_wait3A_120 = tpu.memref_slice %arg18[%rem3A_60, %dma_wait3A_118, %dma_wait3A_119] : memref<2x32x256xf32, #tpu.memory_space<vmem>> -> memref<1x32x256xf32, #tpu.memory_space<vmem>>
        %dma_wait3A_121 = tpu.memref_squeeze %dma_wait3A_120 : memref<1x32x256xf32, #tpu.memory_space<vmem>> -> memref<32x256xf32, #tpu.memory_space<vmem>>
        %dma_wait3A_122 = arith.constant 0 : i32
        %dma_wait3A_123 = arith.constant 0 : i32
        %dma_wait3A_124 = tpu.memref_slice %arg9[%dma_wait3A_122, %dma_wait3A_123] : memref<98000x256xf32, #tpu.memory_space<hbm>> -> memref<32x256xf32, #tpu.memory_space<hbm>>
        %dma_wait3A_125 = arith.constant 0 : i32
        %dma_wait3A_126 = arith.constant 0 : i32
        %dma_wait3A_127 = tpu.memref_slice %arg9[%dma_wait3A_125, %dma_wait3A_126] : memref<98000x256xf32, #tpu.memory_space<hbm>> -> memref<32x256xf32, #tpu.memory_space<hbm>>
        %dma_wait3A_128 = arith.constant 0 : i32
        %dma_wait3A_129 = arith.constant 0 : i32
        %dma_wait3A_130 = tpu.memref_slice %arg18[%rem3A_60, %dma_wait3A_128, %dma_wait3A_129] : memref<2x32x256xf32, #tpu.memory_space<vmem>> -> memref<1x32x256xf32, #tpu.memory_space<vmem>>
        %dma_wait3A_131 = tpu.memref_squeeze %dma_wait3A_130 : memref<1x32x256xf32, #tpu.memory_space<vmem>> -> memref<32x256xf32, #tpu.memory_space<vmem>>
        tpu.wait_dma2 semaphore(%arg20 : memref<!tpu.dma_semaphore, #tpu.memory_space<semaphore_mem>>) src(%dma_wait3A_131 : memref<32x256xf32, #tpu.memory_space<vmem>>) dst(%dma_wait3A_127 : memref<32x256xf32, #tpu.memory_space<hbm>>)
      } else {
      }
      %scan3A_101 = arith.constant 0 : i32
      %scan3A_102 = arith.constant 32 : i32
      %scan3A_103 = arith.addi %scan3A_101, %scan3A_102 : i32
      %scan3A_104 = arith.constant 1 : i32
      scf.for %scan3A_118 = %scan3A_101 to %scan3A_103 step %scan3A_104  : i32 {
        %mul3A_119 = arith.constant 1 : i32
        %mul3A_120 = arith.muli %scan3A_118, %mul3A_119 : i32
        %add3A_121 = arith.constant 0 : i32
        %add3A_122 = arith.addi %add3A_121, %mul3A_120 : i32
        %mul3A_123 = arith.constant 32 : i32
        %mul3A_124 = arith.muli %add3A_59, %mul3A_123 : i32
        %add3A_125 = arith.addi %mul3A_124, %add3A_122 : i32
        %broadcast_in_dim3A = vector.broadcast %add3A_125 : i32 to vector<16xi32>
        %gather3A = tpu.vector_load_idx %arg12[%broadcast_in_dim3A] : memref<3072xf32, #tpu.memory_space<vmem>>[vector<16xi32>], vector<16xf32>,
        %gather3A_126 = tpu.vector_load_idx %arg13[%broadcast_in_dim3A] : memref<3072xf32, #tpu.memory_space<vmem>>[vector<16xi32>], vector<16xf32>,
        %gather3A_127 = tpu.vector_load_idx %arg14[%broadcast_in_dim3A] : memref<3072xf32, #tpu.memory_space<vmem>>[vector<16xi32>], vector<16xf32>,
        %gather3A_128 = tpu.vector_load_idx %arg15[%broadcast_in_dim3A] : memref<3072xf32, #tpu.memory_space<vmem>>[vector<16xi32>], vector<16xf32>,
        %get3A = arith.index_cast %rem3A_60 : i32 to index
        %get3A_129 = arith.index_cast %add3A_122 : i32 to index
        %get3A_130 = arith.constant 0 : index
        %get3A_131 = tpu.vector_load %arg16[%get3A, %get3A_129, %get3A_130] {strides = array<i32>} : memref<2x32x256xi32, #tpu.memory_space<vmem>>, vector<16xi32>,
        %bitcast3A = vector.bitcast %get3A_131 : vector<16xi32> to vector<32xbf16>
        %unpack3A = tpu.unpack_subelements %bitcast3A, 0 {pack_format = #tpu.pack_format<interleaved>} : vector<32xbf16> -> vector<16xf32>
        %unpack3A_132 = tpu.unpack_subelements %bitcast3A, 1 {pack_format = #tpu.pack_format<interleaved>} : vector<32xbf16> -> vector<16xf32>
        %get3A_133 = arith.index_cast %rem3A_60 : i32 to index
        %get3A_134 = arith.index_cast %add3A_122 : i32 to index
        %get3A_135 = arith.constant 128 : index
        %get3A_136 = tpu.vector_load %arg16[%get3A_133, %get3A_134, %get3A_135] {strides = array<i32>} : memref<2x32x256xi32, #tpu.memory_space<vmem>>, vector<16xi32>,
        %bitcast3A_137 = vector.bitcast %get3A_136 : vector<16xi32> to vector<32xbf16>
        %unpack3A_138 = tpu.unpack_subelements %bitcast3A_137, 0 {pack_format = #tpu.pack_format<interleaved>} : vector<32xbf16> -> vector<16xf32>
        %unpack3A_139 = tpu.unpack_subelements %bitcast3A_137, 1 {pack_format = #tpu.pack_format<interleaved>} : vector<32xbf16> -> vector<16xf32>
        %get3A_140 = arith.index_cast %rem3A_60 : i32 to index
        %get3A_141 = arith.index_cast %add3A_122 : i32 to index
        %get3A_142 = arith.constant 0 : index
        %get3A_143 = tpu.vector_load %arg17[%get3A_140, %get3A_141, %get3A_142] {strides = array<i32>} : memref<2x32x256xi32, #tpu.memory_space<vmem>>, vector<16xi32>,
        %bitcast3A_144 = vector.bitcast %get3A_143 : vector<16xi32> to vector<32xbf16>
        %unpack3A_145 = tpu.unpack_subelements %bitcast3A_144, 0 {pack_format = #tpu.pack_format<interleaved>} : vector<32xbf16> -> vector<16xf32>
        %unpack3A_146 = tpu.unpack_subelements %bitcast3A_144, 1 {pack_format = #tpu.pack_format<interleaved>} : vector<32xbf16> -> vector<16xf32>
        %get3A_147 = arith.index_cast %rem3A_60 : i32 to index
        %get3A_148 = arith.index_cast %add3A_122 : i32 to index
        %get3A_149 = arith.constant 128 : index
        %get3A_150 = tpu.vector_load %arg17[%get3A_147, %get3A_148, %get3A_149] {strides = array<i32>} : memref<2x32x256xi32, #tpu.memory_space<vmem>>, vector<16xi32>,
        %bitcast3A_151 = vector.bitcast %get3A_150 : vector<16xi32> to vector<32xbf16>
        %unpack3A_152 = tpu.unpack_subelements %bitcast3A_151, 0 {pack_format = #tpu.pack_format<interleaved>} : vector<32xbf16> -> vector<16xf32>
        %unpack3A_153 = tpu.unpack_subelements %bitcast3A_151, 1 {pack_format = #tpu.pack_format<interleaved>} : vector<32xbf16> -> vector<16xf32>
        %mul3A_154 = arith.mulf %gather3A, %unpack3A : vector<16xf32>
        %mul3A_155 = arith.mulf %gather3A_126, %unpack3A_138 : vector<16xf32>
        %add3A_156 = arith.addf %mul3A_154, %mul3A_155 : vector<16xf32>
        %mul3A_157 = arith.mulf %gather3A_127, %unpack3A_145 : vector<16xf32>
        %add3A_158 = arith.addf %add3A_156, %mul3A_157 : vector<16xf32>
        %mul3A_159 = arith.mulf %gather3A_128, %unpack3A_152 : vector<16xf32>
        %add3A_160 = arith.addf %add3A_158, %mul3A_159 : vector<16xf32>
        %swap3A = arith.index_cast %rem3A_60 : i32 to index
        %swap3A_161 = arith.index_cast %add3A_122 : i32 to index
        %swap3A_162 = arith.constant 0 : index
        %swap3A_163 = tpu.vector_load %arg18[%swap3A, %swap3A_161, %swap3A_162] {strides = array<i32>} : memref<2x32x256xf32, #tpu.memory_space<vmem>>, vector<16xf32>,
        tpu.vector_store %arg18[%swap3A, %swap3A_161, %swap3A_162], %add3A_160 {strides = array<i32>} : memref<2x32x256xf32, #tpu.memory_space<vmem>>, vector<16xf32>,
        %mul3A_164 = arith.mulf %gather3A, %unpack3A_132 : vector<16xf32>
        %mul3A_165 = arith.mulf %gather3A_126, %unpack3A_139 : vector<16xf32>
        %add3A_166 = arith.addf %mul3A_164, %mul3A_165 : vector<16xf32>
        %mul3A_167 = arith.mulf %gather3A_127, %unpack3A_146 : vector<16xf32>
        %add3A_168 = arith.addf %add3A_166, %mul3A_167 : vector<16xf32>
        %mul3A_169 = arith.mulf %gather3A_128, %unpack3A_153 : vector<16xf32>
        %add3A_170 = arith.addf %add3A_168, %mul3A_169 : vector<16xf32>
        %swap3A_171 = arith.index_cast %rem3A_60 : i32 to index
        %swap3A_172 = arith.index_cast %add3A_122 : i32 to index
        %swap3A_173 = arith.constant 16 : index
        %swap3A_174 = tpu.vector_load %arg18[%swap3A_171, %swap3A_172, %swap3A_173] {strides = array<i32>} : memref<2x32x256xf32, #tpu.memory_space<vmem>>, vector<16xf32>,
        tpu.vector_store %arg18[%swap3A_171, %swap3A_172, %swap3A_173], %add3A_170 {strides = array<i32>} : memref<2x32x256xf32, #tpu.memory_space<vmem>>, vector<16xf32>,
        %get3A_175 = arith.index_cast %rem3A_60 : i32 to index
        %get3A_176 = arith.index_cast %add3A_122 : i32 to index
        %get3A_177 = arith.constant 16 : index
        %get3A_178 = tpu.vector_load %arg16[%get3A_175, %get3A_176, %get3A_177] {strides = array<i32>} : memref<2x32x256xi32, #tpu.memory_space<vmem>>, vector<16xi32>,
        %bitcast3A_179 = vector.bitcast %get3A_178 : vector<16xi32> to vector<32xbf16>
        %unpack3A_180 = tpu.unpack_subelements %bitcast3A_179, 0 {pack_format = #tpu.pack_format<interleaved>} : vector<32xbf16> -> vector<16xf32>
        %unpack3A_181 = tpu.unpack_subelements %bitcast3A_179, 1 {pack_format = #tpu.pack_format<interleaved>} : vector<32xbf16> -> vector<16xf32>
        %get3A_182 = arith.index_cast %rem3A_60 : i32 to index
        %get3A_183 = arith.index_cast %add3A_122 : i32 to index
        %get3A_184 = arith.constant 144 : index
        %get3A_185 = tpu.vector_load %arg16[%get3A_182, %get3A_183, %get3A_184] {strides = array<i32>} : memref<2x32x256xi32, #tpu.memory_space<vmem>>, vector<16xi32>,
        %bitcast3A_186 = vector.bitcast %get3A_185 : vector<16xi32> to vector<32xbf16>
        %unpack3A_187 = tpu.unpack_subelements %bitcast3A_186, 0 {pack_format = #tpu.pack_format<interleaved>} : vector<32xbf16> -> vector<16xf32>
        %unpack3A_188 = tpu.unpack_subelements %bitcast3A_186, 1 {pack_format = #tpu.pack_format<interleaved>} : vector<32xbf16> -> vector<16xf32>
        %get3A_189 = arith.index_cast %rem3A_60 : i32 to index
        %get3A_190 = arith.index_cast %add3A_122 : i32 to index
        %get3A_191 = arith.constant 16 : index
        %get3A_192 = tpu.vector_load %arg17[%get3A_189, %get3A_190, %get3A_191] {strides = array<i32>} : memref<2x32x256xi32, #tpu.memory_space<vmem>>, vector<16xi32>,
        %bitcast3A_193 = vector.bitcast %get3A_192 : vector<16xi32> to vector<32xbf16>
        %unpack3A_194 = tpu.unpack_subelements %bitcast3A_193, 0 {pack_format = #tpu.pack_format<interleaved>} : vector<32xbf16> -> vector<16xf32>
        %unpack3A_195 = tpu.unpack_subelements %bitcast3A_193, 1 {pack_format = #tpu.pack_format<interleaved>} : vector<32xbf16> -> vector<16xf32>
        %get3A_196 = arith.index_cast %rem3A_60 : i32 to index
        %get3A_197 = arith.index_cast %add3A_122 : i32 to index
        %get3A_198 = arith.constant 144 : index
        %get3A_199 = tpu.vector_load %arg17[%get3A_196, %get3A_197, %get3A_198] {strides = array<i32>} : memref<2x32x256xi32, #tpu.memory_space<vmem>>, vector<16xi32>,
        %bitcast3A_200 = vector.bitcast %get3A_199 : vector<16xi32> to vector<32xbf16>
        %unpack3A_201 = tpu.unpack_subelements %bitcast3A_200, 0 {pack_format = #tpu.pack_format<interleaved>} : vector<32xbf16> -> vector<16xf32>
        %unpack3A_202 = tpu.unpack_subelements %bitcast3A_200, 1 {pack_format = #tpu.pack_format<interleaved>} : vector<32xbf16> -> vector<16xf32>
        %mul3A_203 = arith.mulf %gather3A, %unpack3A_180 : vector<16xf32>
        %mul3A_204 = arith.mulf %gather3A_126, %unpack3A_187 : vector<16xf32>
        %add3A_205 = arith.addf %mul3A_203, %mul3A_204 : vector<16xf32>
        %mul3A_206 = arith.mulf %gather3A_127, %unpack3A_194 : vector<16xf32>
        %add3A_207 = arith.addf %add3A_205, %mul3A_206 : vector<16xf32>
        %mul3A_208 = arith.mulf %gather3A_128, %unpack3A_201 : vector<16xf32>
        %add3A_209 = arith.addf %add3A_207, %mul3A_208 : vector<16xf32>
        %swap3A_210 = arith.index_cast %rem3A_60 : i32 to index
        %swap3A_211 = arith.index_cast %add3A_122 : i32 to index
        %swap3A_212 = arith.constant 32 : index
        %swap3A_213 = tpu.vector_load %arg18[%swap3A_210, %swap3A_211, %swap3A_212] {strides = array<i32>} : memref<2x32x256xf32, #tpu.memory_space<vmem>>, vector<16xf32>,
        tpu.vector_store %arg18[%swap3A_210, %swap3A_211, %swap3A_212], %add3A_209 {strides = array<i32>} : memref<2x32x256xf32, #tpu.memory_space<vmem>>, vector<16xf32>,
        %mul3A_214 = arith.mulf %gather3A, %unpack3A_181 : vector<16xf32>
        %mul3A_215 = arith.mulf %gather3A_126, %unpack3A_188 : vector<16xf32>
        %add3A_216 = arith.addf %mul3A_214, %mul3A_215 : vector<16xf32>
        %mul3A_217 = arith.mulf %gather3A_127, %unpack3A_195 : vector<16xf32>
        %add3A_218 = arith.addf %add3A_216, %mul3A_217 : vector<16xf32>
        %mul3A_219 = arith.mulf %gather3A_128, %unpack3A_202 : vector<16xf32>
        %add3A_220 = arith.addf %add3A_218, %mul3A_219 : vector<16xf32>
        %swap3A_221 = arith.index_cast %rem3A_60 : i32 to index
        %swap3A_222 = arith.index_cast %add3A_122 : i32 to index
        %swap3A_223 = arith.constant 48 : index
        %swap3A_224 = tpu.vector_load %arg18[%swap3A_221, %swap3A_222, %swap3A_223] {strides = array<i32>} : memref<2x32x256xf32, #tpu.memory_space<vmem>>, vector<16xf32>,
        tpu.vector_store %arg18[%swap3A_221, %swap3A_222, %swap3A_223], %add3A_220 {strides = array<i32>} : memref<2x32x256xf32, #tpu.memory_space<vmem>>, vector<16xf32>,
        %get3A_225 = arith.index_cast %rem3A_60 : i32 to index
        %get3A_226 = arith.index_cast %add3A_122 : i32 to index
        %get3A_227 = arith.constant 32 : index
        %get3A_228 = tpu.vector_load %arg16[%get3A_225, %get3A_226, %get3A_227] {strides = array<i32>} : memref<2x32x256xi32, #tpu.memory_space<vmem>>, vector<16xi32>,
        %bitcast3A_229 = vector.bitcast %get3A_228 : vector<16xi32> to vector<32xbf16>
        %unpack3A_230 = tpu.unpack_subelements %bitcast3A_229, 0 {pack_format = #tpu.pack_format<interleaved>} : vector<32xbf16> -> vector<16xf32>
        %unpack3A_231 = tpu.unpack_subelements %bitcast3A_229, 1 {pack_format = #tpu.pack_format<interleaved>} : vector<32xbf16> -> vector<16xf32>
        %get3A_232 = arith.index_cast %rem3A_60 : i32 to index
        %get3A_233 = arith.index_cast %add3A_122 : i32 to index
        %get3A_234 = arith.constant 160 : index
        %get3A_235 = tpu.vector_load %arg16[%get3A_232, %get3A_233, %get3A_234] {strides = array<i32>} : memref<2x32x256xi32, #tpu.memory_space<vmem>>, vector<16xi32>,
        %bitcast3A_236 = vector.bitcast %get3A_235 : vector<16xi32> to vector<32xbf16>
        %unpack3A_237 = tpu.unpack_subelements %bitcast3A_236, 0 {pack_format = #tpu.pack_format<interleaved>} : vector<32xbf16> -> vector<16xf32>
        %unpack3A_238 = tpu.unpack_subelements %bitcast3A_236, 1 {pack_format = #tpu.pack_format<interleaved>} : vector<32xbf16> -> vector<16xf32>
        %get3A_239 = arith.index_cast %rem3A_60 : i32 to index
        %get3A_240 = arith.index_cast %add3A_122 : i32 to index
        %get3A_241 = arith.constant 32 : index
        %get3A_242 = tpu.vector_load %arg17[%get3A_239, %get3A_240, %get3A_241] {strides = array<i32>} : memref<2x32x256xi32, #tpu.memory_space<vmem>>, vector<16xi32>,
        %bitcast3A_243 = vector.bitcast %get3A_242 : vector<16xi32> to vector<32xbf16>
        %unpack3A_244 = tpu.unpack_subelements %bitcast3A_243, 0 {pack_format = #tpu.pack_format<interleaved>} : vector<32xbf16> -> vector<16xf32>
        %unpack3A_245 = tpu.unpack_subelements %bitcast3A_243, 1 {pack_format = #tpu.pack_format<interleaved>} : vector<32xbf16> -> vector<16xf32>
        %get3A_246 = arith.index_cast %rem3A_60 : i32 to index
        %get3A_247 = arith.index_cast %add3A_122 : i32 to index
        %get3A_248 = arith.constant 160 : index
        %get3A_249 = tpu.vector_load %arg17[%get3A_246, %get3A_247, %get3A_248] {strides = array<i32>} : memref<2x32x256xi32, #tpu.memory_space<vmem>>, vector<16xi32>,
        %bitcast3A_250 = vector.bitcast %get3A_249 : vector<16xi32> to vector<32xbf16>
        %unpack3A_251 = tpu.unpack_subelements %bitcast3A_250, 0 {pack_format = #tpu.pack_format<interleaved>} : vector<32xbf16> -> vector<16xf32>
        %unpack3A_252 = tpu.unpack_subelements %bitcast3A_250, 1 {pack_format = #tpu.pack_format<interleaved>} : vector<32xbf16> -> vector<16xf32>
        %mul3A_253 = arith.mulf %gather3A, %unpack3A_230 : vector<16xf32>
        %mul3A_254 = arith.mulf %gather3A_126, %unpack3A_237 : vector<16xf32>
        %add3A_255 = arith.addf %mul3A_253, %mul3A_254 : vector<16xf32>
        %mul3A_256 = arith.mulf %gather3A_127, %unpack3A_244 : vector<16xf32>
        %add3A_257 = arith.addf %add3A_255, %mul3A_256 : vector<16xf32>
        %mul3A_258 = arith.mulf %gather3A_128, %unpack3A_251 : vector<16xf32>
        %add3A_259 = arith.addf %add3A_257, %mul3A_258 : vector<16xf32>
        %swap3A_260 = arith.index_cast %rem3A_60 : i32 to index
        %swap3A_261 = arith.index_cast %add3A_122 : i32 to index
        %swap3A_262 = arith.constant 64 : index
        %swap3A_263 = tpu.vector_load %arg18[%swap3A_260, %swap3A_261, %swap3A_262] {strides = array<i32>} : memref<2x32x256xf32, #tpu.memory_space<vmem>>, vector<16xf32>,
        tpu.vector_store %arg18[%swap3A_260, %swap3A_261, %swap3A_262], %add3A_259 {strides = array<i32>} : memref<2x32x256xf32, #tpu.memory_space<vmem>>, vector<16xf32>,
        %mul3A_264 = arith.mulf %gather3A, %unpack3A_231 : vector<16xf32>
        %mul3A_265 = arith.mulf %gather3A_126, %unpack3A_238 : vector<16xf32>
        %add3A_266 = arith.addf %mul3A_264, %mul3A_265 : vector<16xf32>
        %mul3A_267 = arith.mulf %gather3A_127, %unpack3A_245 : vector<16xf32>
        %add3A_268 = arith.addf %add3A_266, %mul3A_267 : vector<16xf32>
        %mul3A_269 = arith.mulf %gather3A_128, %unpack3A_252 : vector<16xf32>
        %add3A_270 = arith.addf %add3A_268, %mul3A_269 : vector<16xf32>
        %swap3A_271 = arith.index_cast %rem3A_60 : i32 to index
        %swap3A_272 = arith.index_cast %add3A_122 : i32 to index
        %swap3A_273 = arith.constant 80 : index
        %swap3A_274 = tpu.vector_load %arg18[%swap3A_271, %swap3A_272, %swap3A_273] {strides = array<i32>} : memref<2x32x256xf32, #tpu.memory_space<vmem>>, vector<16xf32>,
        tpu.vector_store %arg18[%swap3A_271, %swap3A_272, %swap3A_273], %add3A_270 {strides = array<i32>} : memref<2x32x256xf32, #tpu.memory_space<vmem>>, vector<16xf32>,
        %get3A_275 = arith.index_cast %rem3A_60 : i32 to index
        %get3A_276 = arith.index_cast %add3A_122 : i32 to index
        %get3A_277 = arith.constant 48 : index
        %get3A_278 = tpu.vector_load %arg16[%get3A_275, %get3A_276, %get3A_277] {strides = array<i32>} : memref<2x32x256xi32, #tpu.memory_space<vmem>>, vector<16xi32>,
        %bitcast3A_279 = vector.bitcast %get3A_278 : vector<16xi32> to vector<32xbf16>
        %unpack3A_280 = tpu.unpack_subelements %bitcast3A_279, 0 {pack_format = #tpu.pack_format<interleaved>} : vector<32xbf16> -> vector<16xf32>
        %unpack3A_281 = tpu.unpack_subelements %bitcast3A_279, 1 {pack_format = #tpu.pack_format<interleaved>} : vector<32xbf16> -> vector<16xf32>
        %get3A_282 = arith.index_cast %rem3A_60 : i32 to index
        %get3A_283 = arith.index_cast %add3A_122 : i32 to index
        %get3A_284 = arith.constant 176 : index
        %get3A_285 = tpu.vector_load %arg16[%get3A_282, %get3A_283, %get3A_284] {strides = array<i32>} : memref<2x32x256xi32, #tpu.memory_space<vmem>>, vector<16xi32>,
        %bitcast3A_286 = vector.bitcast %get3A_285 : vector<16xi32> to vector<32xbf16>
        %unpack3A_287 = tpu.unpack_subelements %bitcast3A_286, 0 {pack_format = #tpu.pack_format<interleaved>} : vector<32xbf16> -> vector<16xf32>
        %unpack3A_288 = tpu.unpack_subelements %bitcast3A_286, 1 {pack_format = #tpu.pack_format<interleaved>} : vector<32xbf16> -> vector<16xf32>
        %get3A_289 = arith.index_cast %rem3A_60 : i32 to index
        %get3A_290 = arith.index_cast %add3A_122 : i32 to index
        %get3A_291 = arith.constant 48 : index
        %get3A_292 = tpu.vector_load %arg17[%get3A_289, %get3A_290, %get3A_291] {strides = array<i32>} : memref<2x32x256xi32, #tpu.memory_space<vmem>>, vector<16xi32>,
        %bitcast3A_293 = vector.bitcast %get3A_292 : vector<16xi32> to vector<32xbf16>
        %unpack3A_294 = tpu.unpack_subelements %bitcast3A_293, 0 {pack_format = #tpu.pack_format<interleaved>} : vector<32xbf16> -> vector<16xf32>
        %unpack3A_295 = tpu.unpack_subelements %bitcast3A_293, 1 {pack_format = #tpu.pack_format<interleaved>} : vector<32xbf16> -> vector<16xf32>
        %get3A_296 = arith.index_cast %rem3A_60 : i32 to index
        %get3A_297 = arith.index_cast %add3A_122 : i32 to index
        %get3A_298 = arith.constant 176 : index
        %get3A_299 = tpu.vector_load %arg17[%get3A_296, %get3A_297, %get3A_298] {strides = array<i32>} : memref<2x32x256xi32, #tpu.memory_space<vmem>>, vector<16xi32>,
        %bitcast3A_300 = vector.bitcast %get3A_299 : vector<16xi32> to vector<32xbf16>
        %unpack3A_301 = tpu.unpack_subelements %bitcast3A_300, 0 {pack_format = #tpu.pack_format<interleaved>} : vector<32xbf16> -> vector<16xf32>
        %unpack3A_302 = tpu.unpack_subelements %bitcast3A_300, 1 {pack_format = #tpu.pack_format<interleaved>} : vector<32xbf16> -> vector<16xf32>
        %mul3A_303 = arith.mulf %gather3A, %unpack3A_280 : vector<16xf32>
        %mul3A_304 = arith.mulf %gather3A_126, %unpack3A_287 : vector<16xf32>
        %add3A_305 = arith.addf %mul3A_303, %mul3A_304 : vector<16xf32>
        %mul3A_306 = arith.mulf %gather3A_127, %unpack3A_294 : vector<16xf32>
        %add3A_307 = arith.addf %add3A_305, %mul3A_306 : vector<16xf32>
        %mul3A_308 = arith.mulf %gather3A_128, %unpack3A_301 : vector<16xf32>
        %add3A_309 = arith.addf %add3A_307, %mul3A_308 : vector<16xf32>
        %swap3A_310 = arith.index_cast %rem3A_60 : i32 to index
        %swap3A_311 = arith.index_cast %add3A_122 : i32 to index
        %swap3A_312 = arith.constant 96 : index
        %swap3A_313 = tpu.vector_load %arg18[%swap3A_310, %swap3A_311, %swap3A_312] {strides = array<i32>} : memref<2x32x256xf32, #tpu.memory_space<vmem>>, vector<16xf32>,
        tpu.vector_store %arg18[%swap3A_310, %swap3A_311, %swap3A_312], %add3A_309 {strides = array<i32>} : memref<2x32x256xf32, #tpu.memory_space<vmem>>, vector<16xf32>,
        %mul3A_314 = arith.mulf %gather3A, %unpack3A_281 : vector<16xf32>
        %mul3A_315 = arith.mulf %gather3A_126, %unpack3A_288 : vector<16xf32>
        %add3A_316 = arith.addf %mul3A_314, %mul3A_315 : vector<16xf32>
        %mul3A_317 = arith.mulf %gather3A_127, %unpack3A_295 : vector<16xf32>
        %add3A_318 = arith.addf %add3A_316, %mul3A_317 : vector<16xf32>
        %mul3A_319 = arith.mulf %gather3A_128, %unpack3A_302 : vector<16xf32>
        %add3A_320 = arith.addf %add3A_318, %mul3A_319 : vector<16xf32>
        %swap3A_321 = arith.index_cast %rem3A_60 : i32 to index
        %swap3A_322 = arith.index_cast %add3A_122 : i32 to index
        %swap3A_323 = arith.constant 112 : index
        %swap3A_324 = tpu.vector_load %arg18[%swap3A_321, %swap3A_322, %swap3A_323] {strides = array<i32>} : memref<2x32x256xf32, #tpu.memory_space<vmem>>, vector<16xf32>,
        tpu.vector_store %arg18[%swap3A_321, %swap3A_322, %swap3A_323], %add3A_320 {strides = array<i32>} : memref<2x32x256xf32, #tpu.memory_space<vmem>>, vector<16xf32>,
        %get3A_325 = arith.index_cast %rem3A_60 : i32 to index
        %get3A_326 = arith.index_cast %add3A_122 : i32 to index
        %get3A_327 = arith.constant 64 : index
        %get3A_328 = tpu.vector_load %arg16[%get3A_325, %get3A_326, %get3A_327] {strides = array<i32>} : memref<2x32x256xi32, #tpu.memory_space<vmem>>, vector<16xi32>,
        %bitcast3A_329 = vector.bitcast %get3A_328 : vector<16xi32> to vector<32xbf16>
        %unpack3A_330 = tpu.unpack_subelements %bitcast3A_329, 0 {pack_format = #tpu.pack_format<interleaved>} : vector<32xbf16> -> vector<16xf32>
        %unpack3A_331 = tpu.unpack_subelements %bitcast3A_329, 1 {pack_format = #tpu.pack_format<interleaved>} : vector<32xbf16> -> vector<16xf32>
        %get3A_332 = arith.index_cast %rem3A_60 : i32 to index
        %get3A_333 = arith.index_cast %add3A_122 : i32 to index
        %get3A_334 = arith.constant 192 : index
        %get3A_335 = tpu.vector_load %arg16[%get3A_332, %get3A_333, %get3A_334] {strides = array<i32>} : memref<2x32x256xi32, #tpu.memory_space<vmem>>, vector<16xi32>,
        %bitcast3A_336 = vector.bitcast %get3A_335 : vector<16xi32> to vector<32xbf16>
        %unpack3A_337 = tpu.unpack_subelements %bitcast3A_336, 0 {pack_format = #tpu.pack_format<interleaved>} : vector<32xbf16> -> vector<16xf32>
        %unpack3A_338 = tpu.unpack_subelements %bitcast3A_336, 1 {pack_format = #tpu.pack_format<interleaved>} : vector<32xbf16> -> vector<16xf32>
        %get3A_339 = arith.index_cast %rem3A_60 : i32 to index
        %get3A_340 = arith.index_cast %add3A_122 : i32 to index
        %get3A_341 = arith.constant 64 : index
        %get3A_342 = tpu.vector_load %arg17[%get3A_339, %get3A_340, %get3A_341] {strides = array<i32>} : memref<2x32x256xi32, #tpu.memory_space<vmem>>, vector<16xi32>,
        %bitcast3A_343 = vector.bitcast %get3A_342 : vector<16xi32> to vector<32xbf16>
        %unpack3A_344 = tpu.unpack_subelements %bitcast3A_343, 0 {pack_format = #tpu.pack_format<interleaved>} : vector<32xbf16> -> vector<16xf32>
        %unpack3A_345 = tpu.unpack_subelements %bitcast3A_343, 1 {pack_format = #tpu.pack_format<interleaved>} : vector<32xbf16> -> vector<16xf32>
        %get3A_346 = arith.index_cast %rem3A_60 : i32 to index
        %get3A_347 = arith.index_cast %add3A_122 : i32 to index
        %get3A_348 = arith.constant 192 : index
        %get3A_349 = tpu.vector_load %arg17[%get3A_346, %get3A_347, %get3A_348] {strides = array<i32>} : memref<2x32x256xi32, #tpu.memory_space<vmem>>, vector<16xi32>,
        %bitcast3A_350 = vector.bitcast %get3A_349 : vector<16xi32> to vector<32xbf16>
        %unpack3A_351 = tpu.unpack_subelements %bitcast3A_350, 0 {pack_format = #tpu.pack_format<interleaved>} : vector<32xbf16> -> vector<16xf32>
        %unpack3A_352 = tpu.unpack_subelements %bitcast3A_350, 1 {pack_format = #tpu.pack_format<interleaved>} : vector<32xbf16> -> vector<16xf32>
        %mul3A_353 = arith.mulf %gather3A, %unpack3A_330 : vector<16xf32>
        %mul3A_354 = arith.mulf %gather3A_126, %unpack3A_337 : vector<16xf32>
        %add3A_355 = arith.addf %mul3A_353, %mul3A_354 : vector<16xf32>
        %mul3A_356 = arith.mulf %gather3A_127, %unpack3A_344 : vector<16xf32>
        %add3A_357 = arith.addf %add3A_355, %mul3A_356 : vector<16xf32>
        %mul3A_358 = arith.mulf %gather3A_128, %unpack3A_351 : vector<16xf32>
        %add3A_359 = arith.addf %add3A_357, %mul3A_358 : vector<16xf32>
        %swap3A_360 = arith.index_cast %rem3A_60 : i32 to index
        %swap3A_361 = arith.index_cast %add3A_122 : i32 to index
        %swap3A_362 = arith.constant 128 : index
        %swap3A_363 = tpu.vector_load %arg18[%swap3A_360, %swap3A_361, %swap3A_362] {strides = array<i32>} : memref<2x32x256xf32, #tpu.memory_space<vmem>>, vector<16xf32>,
        tpu.vector_store %arg18[%swap3A_360, %swap3A_361, %swap3A_362], %add3A_359 {strides = array<i32>} : memref<2x32x256xf32, #tpu.memory_space<vmem>>, vector<16xf32>,
        %mul3A_364 = arith.mulf %gather3A, %unpack3A_331 : vector<16xf32>
        %mul3A_365 = arith.mulf %gather3A_126, %unpack3A_338 : vector<16xf32>
        %add3A_366 = arith.addf %mul3A_364, %mul3A_365 : vector<16xf32>
        %mul3A_367 = arith.mulf %gather3A_127, %unpack3A_345 : vector<16xf32>
        %add3A_368 = arith.addf %add3A_366, %mul3A_367 : vector<16xf32>
        %mul3A_369 = arith.mulf %gather3A_128, %unpack3A_352 : vector<16xf32>
        %add3A_370 = arith.addf %add3A_368, %mul3A_369 : vector<16xf32>
        %swap3A_371 = arith.index_cast %rem3A_60 : i32 to index
        %swap3A_372 = arith.index_cast %add3A_122 : i32 to index
        %swap3A_373 = arith.constant 144 : index
        %swap3A_374 = tpu.vector_load %arg18[%swap3A_371, %swap3A_372, %swap3A_373] {strides = array<i32>} : memref<2x32x256xf32, #tpu.memory_space<vmem>>, vector<16xf32>,
        tpu.vector_store %arg18[%swap3A_371, %swap3A_372, %swap3A_373], %add3A_370 {strides = array<i32>} : memref<2x32x256xf32, #tpu.memory_space<vmem>>, vector<16xf32>,
        %get3A_375 = arith.index_cast %rem3A_60 : i32 to index
        %get3A_376 = arith.index_cast %add3A_122 : i32 to index
        %get3A_377 = arith.constant 80 : index
        %get3A_378 = tpu.vector_load %arg16[%get3A_375, %get3A_376, %get3A_377] {strides = array<i32>} : memref<2x32x256xi32, #tpu.memory_space<vmem>>, vector<16xi32>,
        %bitcast3A_379 = vector.bitcast %get3A_378 : vector<16xi32> to vector<32xbf16>
        %unpack3A_380 = tpu.unpack_subelements %bitcast3A_379, 0 {pack_format = #tpu.pack_format<interleaved>} : vector<32xbf16> -> vector<16xf32>
        %unpack3A_381 = tpu.unpack_subelements %bitcast3A_379, 1 {pack_format = #tpu.pack_format<interleaved>} : vector<32xbf16> -> vector<16xf32>
        %get3A_382 = arith.index_cast %rem3A_60 : i32 to index
        %get3A_383 = arith.index_cast %add3A_122 : i32 to index
        %get3A_384 = arith.constant 208 : index
        %get3A_385 = tpu.vector_load %arg16[%get3A_382, %get3A_383, %get3A_384] {strides = array<i32>} : memref<2x32x256xi32, #tpu.memory_space<vmem>>, vector<16xi32>,
        %bitcast3A_386 = vector.bitcast %get3A_385 : vector<16xi32> to vector<32xbf16>
        %unpack3A_387 = tpu.unpack_subelements %bitcast3A_386, 0 {pack_format = #tpu.pack_format<interleaved>} : vector<32xbf16> -> vector<16xf32>
        %unpack3A_388 = tpu.unpack_subelements %bitcast3A_386, 1 {pack_format = #tpu.pack_format<interleaved>} : vector<32xbf16> -> vector<16xf32>
        %get3A_389 = arith.index_cast %rem3A_60 : i32 to index
        %get3A_390 = arith.index_cast %add3A_122 : i32 to index
        %get3A_391 = arith.constant 80 : index
        %get3A_392 = tpu.vector_load %arg17[%get3A_389, %get3A_390, %get3A_391] {strides = array<i32>} : memref<2x32x256xi32, #tpu.memory_space<vmem>>, vector<16xi32>,
        %bitcast3A_393 = vector.bitcast %get3A_392 : vector<16xi32> to vector<32xbf16>
        %unpack3A_394 = tpu.unpack_subelements %bitcast3A_393, 0 {pack_format = #tpu.pack_format<interleaved>} : vector<32xbf16> -> vector<16xf32>
        %unpack3A_395 = tpu.unpack_subelements %bitcast3A_393, 1 {pack_format = #tpu.pack_format<interleaved>} : vector<32xbf16> -> vector<16xf32>
        %get3A_396 = arith.index_cast %rem3A_60 : i32 to index
        %get3A_397 = arith.index_cast %add3A_122 : i32 to index
        %get3A_398 = arith.constant 208 : index
        %get3A_399 = tpu.vector_load %arg17[%get3A_396, %get3A_397, %get3A_398] {strides = array<i32>} : memref<2x32x256xi32, #tpu.memory_space<vmem>>, vector<16xi32>,
        %bitcast3A_400 = vector.bitcast %get3A_399 : vector<16xi32> to vector<32xbf16>
        %unpack3A_401 = tpu.unpack_subelements %bitcast3A_400, 0 {pack_format = #tpu.pack_format<interleaved>} : vector<32xbf16> -> vector<16xf32>
        %unpack3A_402 = tpu.unpack_subelements %bitcast3A_400, 1 {pack_format = #tpu.pack_format<interleaved>} : vector<32xbf16> -> vector<16xf32>
        %mul3A_403 = arith.mulf %gather3A, %unpack3A_380 : vector<16xf32>
        %mul3A_404 = arith.mulf %gather3A_126, %unpack3A_387 : vector<16xf32>
        %add3A_405 = arith.addf %mul3A_403, %mul3A_404 : vector<16xf32>
        %mul3A_406 = arith.mulf %gather3A_127, %unpack3A_394 : vector<16xf32>
        %add3A_407 = arith.addf %add3A_405, %mul3A_406 : vector<16xf32>
        %mul3A_408 = arith.mulf %gather3A_128, %unpack3A_401 : vector<16xf32>
        %add3A_409 = arith.addf %add3A_407, %mul3A_408 : vector<16xf32>
        %swap3A_410 = arith.index_cast %rem3A_60 : i32 to index
        %swap3A_411 = arith.index_cast %add3A_122 : i32 to index
        %swap3A_412 = arith.constant 160 : index
        %swap3A_413 = tpu.vector_load %arg18[%swap3A_410, %swap3A_411, %swap3A_412] {strides = array<i32>} : memref<2x32x256xf32, #tpu.memory_space<vmem>>, vector<16xf32>,
        tpu.vector_store %arg18[%swap3A_410, %swap3A_411, %swap3A_412], %add3A_409 {strides = array<i32>} : memref<2x32x256xf32, #tpu.memory_space<vmem>>, vector<16xf32>,
        %mul3A_414 = arith.mulf %gather3A, %unpack3A_381 : vector<16xf32>
        %mul3A_415 = arith.mulf %gather3A_126, %unpack3A_388 : vector<16xf32>
        %add3A_416 = arith.addf %mul3A_414, %mul3A_415 : vector<16xf32>
        %mul3A_417 = arith.mulf %gather3A_127, %unpack3A_395 : vector<16xf32>
        %add3A_418 = arith.addf %add3A_416, %mul3A_417 : vector<16xf32>
        %mul3A_419 = arith.mulf %gather3A_128, %unpack3A_402 : vector<16xf32>
        %add3A_420 = arith.addf %add3A_418, %mul3A_419 : vector<16xf32>
        %swap3A_421 = arith.index_cast %rem3A_60 : i32 to index
        %swap3A_422 = arith.index_cast %add3A_122 : i32 to index
        %swap3A_423 = arith.constant 176 : index
        %swap3A_424 = tpu.vector_load %arg18[%swap3A_421, %swap3A_422, %swap3A_423] {strides = array<i32>} : memref<2x32x256xf32, #tpu.memory_space<vmem>>, vector<16xf32>,
        tpu.vector_store %arg18[%swap3A_421, %swap3A_422, %swap3A_423], %add3A_420 {strides = array<i32>} : memref<2x32x256xf32, #tpu.memory_space<vmem>>, vector<16xf32>,
        %get3A_425 = arith.index_cast %rem3A_60 : i32 to index
        %get3A_426 = arith.index_cast %add3A_122 : i32 to index
        %get3A_427 = arith.constant 96 : index
        %get3A_428 = tpu.vector_load %arg16[%get3A_425, %get3A_426, %get3A_427] {strides = array<i32>} : memref<2x32x256xi32, #tpu.memory_space<vmem>>, vector<16xi32>,
        %bitcast3A_429 = vector.bitcast %get3A_428 : vector<16xi32> to vector<32xbf16>
        %unpack3A_430 = tpu.unpack_subelements %bitcast3A_429, 0 {pack_format = #tpu.pack_format<interleaved>} : vector<32xbf16> -> vector<16xf32>
        %unpack3A_431 = tpu.unpack_subelements %bitcast3A_429, 1 {pack_format = #tpu.pack_format<interleaved>} : vector<32xbf16> -> vector<16xf32>
        %get3A_432 = arith.index_cast %rem3A_60 : i32 to index
        %get3A_433 = arith.index_cast %add3A_122 : i32 to index
        %get3A_434 = arith.constant 224 : index
        %get3A_435 = tpu.vector_load %arg16[%get3A_432, %get3A_433, %get3A_434] {strides = array<i32>} : memref<2x32x256xi32, #tpu.memory_space<vmem>>, vector<16xi32>,
        %bitcast3A_436 = vector.bitcast %get3A_435 : vector<16xi32> to vector<32xbf16>
        %unpack3A_437 = tpu.unpack_subelements %bitcast3A_436, 0 {pack_format = #tpu.pack_format<interleaved>} : vector<32xbf16> -> vector<16xf32>
        %unpack3A_438 = tpu.unpack_subelements %bitcast3A_436, 1 {pack_format = #tpu.pack_format<interleaved>} : vector<32xbf16> -> vector<16xf32>
        %get3A_439 = arith.index_cast %rem3A_60 : i32 to index
        %get3A_440 = arith.index_cast %add3A_122 : i32 to index
        %get3A_441 = arith.constant 96 : index
        %get3A_442 = tpu.vector_load %arg17[%get3A_439, %get3A_440, %get3A_441] {strides = array<i32>} : memref<2x32x256xi32, #tpu.memory_space<vmem>>, vector<16xi32>,
        %bitcast3A_443 = vector.bitcast %get3A_442 : vector<16xi32> to vector<32xbf16>
        %unpack3A_444 = tpu.unpack_subelements %bitcast3A_443, 0 {pack_format = #tpu.pack_format<interleaved>} : vector<32xbf16> -> vector<16xf32>
        %unpack3A_445 = tpu.unpack_subelements %bitcast3A_443, 1 {pack_format = #tpu.pack_format<interleaved>} : vector<32xbf16> -> vector<16xf32>
        %get3A_446 = arith.index_cast %rem3A_60 : i32 to index
        %get3A_447 = arith.index_cast %add3A_122 : i32 to index
        %get3A_448 = arith.constant 224 : index
        %get3A_449 = tpu.vector_load %arg17[%get3A_446, %get3A_447, %get3A_448] {strides = array<i32>} : memref<2x32x256xi32, #tpu.memory_space<vmem>>, vector<16xi32>,
        %bitcast3A_450 = vector.bitcast %get3A_449 : vector<16xi32> to vector<32xbf16>
        %unpack3A_451 = tpu.unpack_subelements %bitcast3A_450, 0 {pack_format = #tpu.pack_format<interleaved>} : vector<32xbf16> -> vector<16xf32>
        %unpack3A_452 = tpu.unpack_subelements %bitcast3A_450, 1 {pack_format = #tpu.pack_format<interleaved>} : vector<32xbf16> -> vector<16xf32>
        %mul3A_453 = arith.mulf %gather3A, %unpack3A_430 : vector<16xf32>
        %mul3A_454 = arith.mulf %gather3A_126, %unpack3A_437 : vector<16xf32>
        %add3A_455 = arith.addf %mul3A_453, %mul3A_454 : vector<16xf32>
        %mul3A_456 = arith.mulf %gather3A_127, %unpack3A_444 : vector<16xf32>
        %add3A_457 = arith.addf %add3A_455, %mul3A_456 : vector<16xf32>
        %mul3A_458 = arith.mulf %gather3A_128, %unpack3A_451 : vector<16xf32>
        %add3A_459 = arith.addf %add3A_457, %mul3A_458 : vector<16xf32>
        %swap3A_460 = arith.index_cast %rem3A_60 : i32 to index
        %swap3A_461 = arith.index_cast %add3A_122 : i32 to index
        %swap3A_462 = arith.constant 192 : index
        %swap3A_463 = tpu.vector_load %arg18[%swap3A_460, %swap3A_461, %swap3A_462] {strides = array<i32>} : memref<2x32x256xf32, #tpu.memory_space<vmem>>, vector<16xf32>,
        tpu.vector_store %arg18[%swap3A_460, %swap3A_461, %swap3A_462], %add3A_459 {strides = array<i32>} : memref<2x32x256xf32, #tpu.memory_space<vmem>>, vector<16xf32>,
        %mul3A_464 = arith.mulf %gather3A, %unpack3A_431 : vector<16xf32>
        %mul3A_465 = arith.mulf %gather3A_126, %unpack3A_438 : vector<16xf32>
        %add3A_466 = arith.addf %mul3A_464, %mul3A_465 : vector<16xf32>
        %mul3A_467 = arith.mulf %gather3A_127, %unpack3A_445 : vector<16xf32>
        %add3A_468 = arith.addf %add3A_466, %mul3A_467 : vector<16xf32>
        %mul3A_469 = arith.mulf %gather3A_128, %unpack3A_452 : vector<16xf32>
        %add3A_470 = arith.addf %add3A_468, %mul3A_469 : vector<16xf32>
        %swap3A_471 = arith.index_cast %rem3A_60 : i32 to index
        %swap3A_472 = arith.index_cast %add3A_122 : i32 to index
        %swap3A_473 = arith.constant 208 : index
        %swap3A_474 = tpu.vector_load %arg18[%swap3A_471, %swap3A_472, %swap3A_473] {strides = array<i32>} : memref<2x32x256xf32, #tpu.memory_space<vmem>>, vector<16xf32>,
        tpu.vector_store %arg18[%swap3A_471, %swap3A_472, %swap3A_473], %add3A_470 {strides = array<i32>} : memref<2x32x256xf32, #tpu.memory_space<vmem>>, vector<16xf32>,
        %get3A_475 = arith.index_cast %rem3A_60 : i32 to index
        %get3A_476 = arith.index_cast %add3A_122 : i32 to index
        %get3A_477 = arith.constant 112 : index
        %get3A_478 = tpu.vector_load %arg16[%get3A_475, %get3A_476, %get3A_477] {strides = array<i32>} : memref<2x32x256xi32, #tpu.memory_space<vmem>>, vector<16xi32>,
        %bitcast3A_479 = vector.bitcast %get3A_478 : vector<16xi32> to vector<32xbf16>
        %unpack3A_480 = tpu.unpack_subelements %bitcast3A_479, 0 {pack_format = #tpu.pack_format<interleaved>} : vector<32xbf16> -> vector<16xf32>
        %unpack3A_481 = tpu.unpack_subelements %bitcast3A_479, 1 {pack_format = #tpu.pack_format<interleaved>} : vector<32xbf16> -> vector<16xf32>
        %get3A_482 = arith.index_cast %rem3A_60 : i32 to index
        %get3A_483 = arith.index_cast %add3A_122 : i32 to index
        %get3A_484 = arith.constant 240 : index
        %get3A_485 = tpu.vector_load %arg16[%get3A_482, %get3A_483, %get3A_484] {strides = array<i32>} : memref<2x32x256xi32, #tpu.memory_space<vmem>>, vector<16xi32>,
        %bitcast3A_486 = vector.bitcast %get3A_485 : vector<16xi32> to vector<32xbf16>
        %unpack3A_487 = tpu.unpack_subelements %bitcast3A_486, 0 {pack_format = #tpu.pack_format<interleaved>} : vector<32xbf16> -> vector<16xf32>
        %unpack3A_488 = tpu.unpack_subelements %bitcast3A_486, 1 {pack_format = #tpu.pack_format<interleaved>} : vector<32xbf16> -> vector<16xf32>
        %get3A_489 = arith.index_cast %rem3A_60 : i32 to index
        %get3A_490 = arith.index_cast %add3A_122 : i32 to index
        %get3A_491 = arith.constant 112 : index
        %get3A_492 = tpu.vector_load %arg17[%get3A_489, %get3A_490, %get3A_491] {strides = array<i32>} : memref<2x32x256xi32, #tpu.memory_space<vmem>>, vector<16xi32>,
        %bitcast3A_493 = vector.bitcast %get3A_492 : vector<16xi32> to vector<32xbf16>
        %unpack3A_494 = tpu.unpack_subelements %bitcast3A_493, 0 {pack_format = #tpu.pack_format<interleaved>} : vector<32xbf16> -> vector<16xf32>
        %unpack3A_495 = tpu.unpack_subelements %bitcast3A_493, 1 {pack_format = #tpu.pack_format<interleaved>} : vector<32xbf16> -> vector<16xf32>
        %get3A_496 = arith.index_cast %rem3A_60 : i32 to index
        %get3A_497 = arith.index_cast %add3A_122 : i32 to index
        %get3A_498 = arith.constant 240 : index
        %get3A_499 = tpu.vector_load %arg17[%get3A_496, %get3A_497, %get3A_498] {strides = array<i32>} : memref<2x32x256xi32, #tpu.memory_space<vmem>>, vector<16xi32>,
        %bitcast3A_500 = vector.bitcast %get3A_499 : vector<16xi32> to vector<32xbf16>
        %unpack3A_501 = tpu.unpack_subelements %bitcast3A_500, 0 {pack_format = #tpu.pack_format<interleaved>} : vector<32xbf16> -> vector<16xf32>
        %unpack3A_502 = tpu.unpack_subelements %bitcast3A_500, 1 {pack_format = #tpu.pack_format<interleaved>} : vector<32xbf16> -> vector<16xf32>
        %mul3A_503 = arith.mulf %gather3A, %unpack3A_480 : vector<16xf32>
        %mul3A_504 = arith.mulf %gather3A_126, %unpack3A_487 : vector<16xf32>
        %add3A_505 = arith.addf %mul3A_503, %mul3A_504 : vector<16xf32>
        %mul3A_506 = arith.mulf %gather3A_127, %unpack3A_494 : vector<16xf32>
        %add3A_507 = arith.addf %add3A_505, %mul3A_506 : vector<16xf32>
        %mul3A_508 = arith.mulf %gather3A_128, %unpack3A_501 : vector<16xf32>
        %add3A_509 = arith.addf %add3A_507, %mul3A_508 : vector<16xf32>
        %swap3A_510 = arith.index_cast %rem3A_60 : i32 to index
        %swap3A_511 = arith.index_cast %add3A_122 : i32 to index
        %swap3A_512 = arith.constant 224 : index
        %swap3A_513 = tpu.vector_load %arg18[%swap3A_510, %swap3A_511, %swap3A_512] {strides = array<i32>} : memref<2x32x256xf32, #tpu.memory_space<vmem>>, vector<16xf32>,
        tpu.vector_store %arg18[%swap3A_510, %swap3A_511, %swap3A_512], %add3A_509 {strides = array<i32>} : memref<2x32x256xf32, #tpu.memory_space<vmem>>, vector<16xf32>,
        %mul3A_514 = arith.mulf %gather3A, %unpack3A_481 : vector<16xf32>
        %mul3A_515 = arith.mulf %gather3A_126, %unpack3A_488 : vector<16xf32>
        %add3A_516 = arith.addf %mul3A_514, %mul3A_515 : vector<16xf32>
        %mul3A_517 = arith.mulf %gather3A_127, %unpack3A_495 : vector<16xf32>
        %add3A_518 = arith.addf %add3A_516, %mul3A_517 : vector<16xf32>
        %mul3A_519 = arith.mulf %gather3A_128, %unpack3A_502 : vector<16xf32>
        %add3A_520 = arith.addf %add3A_518, %mul3A_519 : vector<16xf32>
        %swap3A_521 = arith.index_cast %rem3A_60 : i32 to index
        %swap3A_522 = arith.index_cast %add3A_122 : i32 to index
        %swap3A_523 = arith.constant 240 : index
        %swap3A_524 = tpu.vector_load %arg18[%swap3A_521, %swap3A_522, %swap3A_523] {strides = array<i32>} : memref<2x32x256xf32, #tpu.memory_space<vmem>>, vector<16xf32>,
        tpu.vector_store %arg18[%swap3A_521, %swap3A_522, %swap3A_523], %add3A_520 {strides = array<i32>} : memref<2x32x256xf32, #tpu.memory_space<vmem>>, vector<16xf32>,
      }
      %scan3A_105 = arith.constant 32 : i32
      %dma_start3A_106 = arith.constant 0 : i32
      %dma_start3A_107 = arith.constant 0 : i32
      %dma_start3A_108 = tpu.memref_slice %arg18[%rem3A_60, %dma_start3A_106, %dma_start3A_107] : memref<2x32x256xf32, #tpu.memory_space<vmem>> -> memref<1x32x256xf32, #tpu.memory_space<vmem>>
      %dma_start3A_109 = tpu.memref_squeeze %dma_start3A_108 : memref<1x32x256xf32, #tpu.memory_space<vmem>> -> memref<32x256xf32, #tpu.memory_space<vmem>>
      %dma_start3A_110 = arith.constant 0 : i32
      %dma_start3A_111 = tpu.memref_slice %arg9[%min3A_64, %dma_start3A_110] : memref<98000x256xf32, #tpu.memory_space<hbm>> -> memref<32x256xf32, #tpu.memory_space<hbm>>
      %dma_start3A_112 = arith.constant 0 : i32
      %dma_start3A_113 = tpu.memref_slice %arg9[%min3A_64, %dma_start3A_112] : memref<98000x256xf32, #tpu.memory_space<hbm>> -> memref<32x256xf32, #tpu.memory_space<hbm>>
      %dma_start3A_114 = arith.constant 0 : i32
      %dma_start3A_115 = arith.constant 0 : i32
      %dma_start3A_116 = tpu.memref_slice %arg18[%rem3A_60, %dma_start3A_114, %dma_start3A_115] : memref<2x32x256xf32, #tpu.memory_space<vmem>> -> memref<1x32x256xf32, #tpu.memory_space<vmem>>
      %dma_start3A_117 = tpu.memref_squeeze %dma_start3A_116 : memref<1x32x256xf32, #tpu.memory_space<vmem>> -> memref<32x256xf32, #tpu.memory_space<vmem>>
      tpu.enqueue_dma source(%dma_start3A_117 : memref<32x256xf32, #tpu.memory_space<vmem>>) target(%dma_start3A_113 : memref<32x256xf32, #tpu.memory_space<hbm>>) target_semaphore(%arg20 : memref<!tpu.dma_semaphore, #tpu.memory_space<semaphore_mem>>)
    }
    %scan3A_25 = arith.constant 96 : i32
    %dma_wait3A = arith.constant 0 : i32
    %dma_wait3A_26 = arith.constant 0 : i32
    %dma_wait3A_27 = arith.constant 0 : i32
    %dma_wait3A_28 = tpu.memref_slice %arg18[%dma_wait3A, %dma_wait3A_26, %dma_wait3A_27] : memref<2x32x256xf32, #tpu.memory_space<vmem>> -> memref<1x32x256xf32, #tpu.memory_space<vmem>>
    %dma_wait3A_29 = tpu.memref_squeeze %dma_wait3A_28 : memref<1x32x256xf32, #tpu.memory_space<vmem>> -> memref<32x256xf32, #tpu.memory_space<vmem>>
    %dma_wait3A_30 = arith.constant 0 : i32
    %dma_wait3A_31 = arith.constant 0 : i32
    %dma_wait3A_32 = tpu.memref_slice %arg9[%dma_wait3A_30, %dma_wait3A_31] : memref<98000x256xf32, #tpu.memory_space<hbm>> -> memref<32x256xf32, #tpu.memory_space<hbm>>
    %dma_wait3A_33 = arith.constant 0 : i32
    %dma_wait3A_34 = arith.constant 0 : i32
    %dma_wait3A_35 = tpu.memref_slice %arg9[%dma_wait3A_33, %dma_wait3A_34] : memref<98000x256xf32, #tpu.memory_space<hbm>> -> memref<32x256xf32, #tpu.memory_space<hbm>>
    %dma_wait3A_36 = arith.constant 0 : i32
    %dma_wait3A_37 = arith.constant 0 : i32
    %dma_wait3A_38 = tpu.memref_slice %arg18[%dma_wait3A, %dma_wait3A_36, %dma_wait3A_37] : memref<2x32x256xf32, #tpu.memory_space<vmem>> -> memref<1x32x256xf32, #tpu.memory_space<vmem>>
    %dma_wait3A_39 = tpu.memref_squeeze %dma_wait3A_38 : memref<1x32x256xf32, #tpu.memory_space<vmem>> -> memref<32x256xf32, #tpu.memory_space<vmem>>
    tpu.wait_dma2 semaphore(%arg20 : memref<!tpu.dma_semaphore, #tpu.memory_space<semaphore_mem>>) src(%dma_wait3A_39 : memref<32x256xf32, #tpu.memory_space<vmem>>) dst(%dma_wait3A_35 : memref<32x256xf32, #tpu.memory_space<hbm>>)
    %dma_wait3A_40 = arith.constant 1 : i32
    %dma_wait3A_41 = arith.constant 0 : i32
    %dma_wait3A_42 = arith.constant 0 : i32
    %dma_wait3A_43 = tpu.memref_slice %arg18[%dma_wait3A_40, %dma_wait3A_41, %dma_wait3A_42] : memref<2x32x256xf32, #tpu.memory_space<vmem>> -> memref<1x32x256xf32, #tpu.memory_space<vmem>>
    %dma_wait3A_44 = tpu.memref_squeeze %dma_wait3A_43 : memref<1x32x256xf32, #tpu.memory_space<vmem>> -> memref<32x256xf32, #tpu.memory_space<vmem>>
    %dma_wait3A_45 = arith.constant 0 : i32
    %dma_wait3A_46 = arith.constant 0 : i32
    %dma_wait3A_47 = tpu.memref_slice %arg9[%dma_wait3A_45, %dma_wait3A_46] : memref<98000x256xf32, #tpu.memory_space<hbm>> -> memref<32x256xf32, #tpu.memory_space<hbm>>
    %dma_wait3A_48 = arith.constant 0 : i32
    %dma_wait3A_49 = arith.constant 0 : i32
    %dma_wait3A_50 = tpu.memref_slice %arg9[%dma_wait3A_48, %dma_wait3A_49] : memref<98000x256xf32, #tpu.memory_space<hbm>> -> memref<32x256xf32, #tpu.memory_space<hbm>>
    %dma_wait3A_51 = arith.constant 0 : i32
    %dma_wait3A_52 = arith.constant 0 : i32
    %dma_wait3A_53 = tpu.memref_slice %arg18[%dma_wait3A_40, %dma_wait3A_51, %dma_wait3A_52] : memref<2x32x256xf32, #tpu.memory_space<vmem>> -> memref<1x32x256xf32, #tpu.memory_space<vmem>>
    %dma_wait3A_54 = tpu.memref_squeeze %dma_wait3A_53 : memref<1x32x256xf32, #tpu.memory_space<vmem>> -> memref<32x256xf32, #tpu.memory_space<vmem>>
    tpu.wait_dma2 semaphore(%arg20 : memref<!tpu.dma_semaphore, #tpu.memory_space<semaphore_mem>>) src(%dma_wait3A_54 : memref<32x256xf32, #tpu.memory_space<vmem>>) dst(%dma_wait3A_50 : memref<32x256xf32, #tpu.memory_space<hbm>>)
    return
  }
}

module attributes {stable_mosaic.version = 14 : i64} {
  func.func @body(%arg0: i32, %arg1: memref<1960x256xf32, #tpu.memory_space<vmem>>, %arg2: memref<1x40x7x7x256xf32, #tpu.memory_space<vmem>>) attributes {dimension_semantics = [#tpu.dimension_semantics<arbitrary>], iteration_bounds = array<i64: 50>, scalar_prefetch = 0 : i64, scratch_operands = 0 : i64, tpu.core_type = #tpu.core_type<tc>, window_params = [{transform_indices = @transform_0, window_bounds = array<i64: 1960, 256>}, {transform_indices = @transform_1, window_bounds = array<i64: 1, 40, 7, 7, 256>}]} {
    %get3A = arith.constant 0 : index
    %get3A_0 = arith.constant 0 : index
    %get3A_1 = vector.load %arg1[%get3A, %get3A_0] : memref<1960x256xf32, #tpu.memory_space<vmem>>, vector<1960x256xf32>
    %reshape3A = vector.shape_cast %get3A_1 : vector<1960x256xf32> to vector<1x40x7x7x256xf32>
    %swap3A = arith.constant 0 : index
    %swap3A_2 = arith.constant 0 : index
    %swap3A_3 = arith.constant 0 : index
    %swap3A_4 = arith.constant 0 : index
    %swap3A_5 = arith.constant 0 : index
    %swap3A_6 = vector.load %arg2[%swap3A, %swap3A_2, %swap3A_3, %swap3A_4, %swap3A_5] : memref<1x40x7x7x256xf32, #tpu.memory_space<vmem>>, vector<1x40x7x7x256xf32>
    tpu.vector_store %arg2[%swap3A, %swap3A_2, %swap3A_3, %swap3A_4, %swap3A_5], %reshape3A {strides = array<i32>} : memref<1x40x7x7x256xf32, #tpu.memory_space<vmem>>, vector<1x40x7x7x256xf32>,
    return
  }
  func.func @transform_0(%arg0: i32) -> (i32, i32) {
    %c0_i32 = arith.constant 0 : i32
    %c0_i32_0 = arith.constant 0 : i32
    return %arg0, %c0_i32 : i32, i32
  }
  func.func @transform_1(%arg0: i32) -> (i32, i32, i32, i32, i32) {
    %jit3A = arith.constant 25 : i32
    %div3A = arith.divsi %arg0, %jit3A : i32
    %sign3A = arith.constant 0 : i32
    %sign3A_0 = arith.cmpi sgt, %arg0, %sign3A : i32
    %sign3A_1 = arith.extui %sign3A_0 : i1 to i32
    %sign3A_2 = arith.constant 0 : i32
    %sign3A_3 = arith.cmpi slt, %arg0, %sign3A_2 : i32
    %sign3A_4 = arith.extui %sign3A_3 : i1 to i32
    %sign3A_5 = arith.subi %sign3A_1, %sign3A_4 : i32
    %sign3A_6 = arith.constant 0 : i32
    %sign3A_7 = arith.cmpi sgt, %jit3A, %sign3A_6 : i32
    %sign3A_8 = arith.extui %sign3A_7 : i1 to i32
    %sign3A_9 = arith.constant 0 : i32
    %sign3A_10 = arith.cmpi slt, %jit3A, %sign3A_9 : i32
    %sign3A_11 = arith.extui %sign3A_10 : i1 to i32
    %sign3A_12 = arith.subi %sign3A_8, %sign3A_11 : i32
    %ne3A = arith.cmpi ne, %sign3A_5, %sign3A_12 : i32
    %rem3A = arith.remsi %arg0, %jit3A : i32
    %ne3A_13 = arith.constant 0 : i32
    %ne3A_14 = arith.cmpi ne, %rem3A, %ne3A_13 : i32
    %and3A = arith.andi %ne3A, %ne3A_14 : i1
    %sub3A = arith.constant 1 : i32
    %sub3A_15 = arith.subi %div3A, %sub3A : i32
    %select_n3A = arith.select %and3A, %sub3A_15, %div3A : i32
    %jit3A_16 = arith.constant 25 : i32
    %eq3A = arith.constant 0 : i32
    %eq3A_17 = arith.cmpi eq, %jit3A_16, %eq3A : i32
    %jit3A_18 = arith.constant 1 : i32
    %select_n3A_19 = arith.select %eq3A_17, %jit3A_18, %jit3A_16 : i32
    %rem3A_20 = arith.remsi %arg0, %select_n3A_19 : i32
    %ne3A_21 = arith.constant 0 : i32
    %ne3A_22 = arith.cmpi ne, %rem3A_20, %ne3A_21 : i32
    %lt3A = arith.constant 0 : i32
    %lt3A_23 = arith.cmpi slt, %rem3A_20, %lt3A : i32
    %lt3A_24 = arith.constant 0 : i32
    %lt3A_25 = arith.cmpi slt, %select_n3A_19, %lt3A_24 : i32
    %ne3A_26 = arith.xori %lt3A_23, %lt3A_25 : i1
    %and3A_27 = arith.andi %ne3A_26, %ne3A_22 : i1
    %add3A = arith.addi %rem3A_20, %select_n3A_19 : i32
    %select_n3A_28 = arith.select %and3A_27, %add3A, %rem3A_20 : i32
    %c0_i32 = arith.constant 0 : i32
    %c0_i32_29 = arith.constant 0 : i32
    %c0_i32_30 = arith.constant 0 : i32
    %c0_i32_31 = arith.constant 0 : i32
    return %select_n3A, %select_n3A_28, %c0_i32, %c0_i32_29, %c0_i32_30 : i32, i32, i32, i32, i32
  }
}

</mosaic_0001>

<sc_bundles>
// kernel: kernel.4.cloned.1.call-start
scs
__scs_entry_jumppad:
0x0: {  	(pc) =	sbr.rel $0x88, $3  }
0x1: {  	(tag) =	ssettag $0x0;
	lr =	simm.s32 $0x1  }
0x2: {  	[smem:$0x3F9F] =	sst lr;
	_ =	strace $0xD0000000  }
0x3: {  	_ = 	snop  }
0x4: {  	_ = 	snop  }
0x5: {  	_ = 	snop  }
0x6: {  	_ = 	snop  }
0x7: {  	_ = 	snop  }
__scs_overlays_trampoline_lowered:
0x8: {  	[smem:$0x3FAE] =	sst s0  }
0x9: {  	[smem:$0x3FAF] =	sst s1  }
0xa: {  	[smem:$0x3FB0] =	sst s2  }
0xb: {  	[smem:$0x3FB1] =	sst s3  }
0xc: {  	[smem:$0x3FB2] =	sst s4  }
0xd: {  	[smem:$0x3FB3] =	sst s5  }
0xe: {  	[smem:$0x3FB4] =	sst s6  }
0xf: {  	[smem:$0x3FB5] =	sst s7  }
0x10: {  	[smem:$0x3FB6] =	sst s8  }
0x11: {  	[smem:$0x3FB7] =	sst s9;
	s0 =	simm.s32 @!p0 $0x0  }
0x12: {  	s1 =	sld [smem:$0x3F9D];
	s0 =	simm.s32 @p0 $0x1  }
0x13: {  	[smem:$0x3FB8] =	sst s0;
	s0 =	simm.s32 @!p1 $0x0  }
0x14: {  	s2 =	sld [smem:$0x3F9C];
	s0 =	simm.s32 @p1 $0x1  }
0x15: {  	[smem:$0x3FB9] =	sst s0;
	s0 =	simm.s32 @!p2 $0x0  }
0x16: {  	s3 =	sld [smem:$0x3FDB];
	s0 =	simm.s32 @p2 $0x1  }
0x17: {  	s4 =	simm.s32 $0x1BF5;
	[smem:$0x3FBB] =	sst s0  }
0x18: {  	s0 =	sld [smem:$0x3F9E];
	_ =	swait.ge [sflag:s4], $0x0  }
0x19: {  	s7 =	sld [smem:$0x3F9F]  }
0x1a: {  	s8 =	sadd.s32 $0xFFFFE003, lr  }
0x1b: {  	s9 =	sadd.s32 $0xFFFFFEF7, lr;
	s5 =	simm.s32 $0xFFFFFFFF;
	p2 =	slt.u32 s8, $0xFFFFF086  }
0x1c: {  	p1 =	slt.u32 s9, $0xF7A;
	s5 =	simm.s32 @!p2 $0x0  }
0x1d: {  	s5 =	simm.s32 @p1 $0x1;
	p0 =	seq.s32 s7, s2  }
0x1e: {  	s7 =	smul.u32 @!p0 $0xF7A, s2;
	p2 =	seq.s32 @!p0 s5, $0x0  }
0x1f: {  	s9 =	smul.u32 $0xF7A, s1;
	s8 =	simm.s32 @!p0 $0x1BF5;
	p2 =	por !p2, p0  }
0x20: {  	[sflag:s8] =	ssyncset.s32 @!p0 $0xFFFFF086;
	s6 =	sadd.s32 @!p0 s3, s7;
	s7 =	simm.s32 @!p0 $0x108  }
0x21: {  	s3 =	sadd.s32 s3, s9;
	s6 =	sadd.s32 @!p0 $0x88, s6;
	s7 =	simm.s32 @p2 $0x1082  }
0x22: {  	[simem:s7], [sflag:s8] =	dma.local @!p0 [hbm:s6], $0xF7A  }
0x23: {  	s9 =	sor.u32 $0xD0000000, s2;
	s6 =	simm.s32 $0x108;
	_ =	swait.ge @!p0 [sflag:s8], $0x0  }
0x24: {  	s3 =	sadd.s32 $0x88, s3;
	s6 =	simm.s32 @!p1 $0x1082;
	[sflag:s4] =	ssyncset.s32 $0xFFFFF086  }
0x25: {  	[simem:s6], [sflag:s4] =	dma.local [hbm:s3], $0xF7A  }
0x26: {  	[smem:$0x3F9F] =	sst s1;
	(tag) =	ssettag s2;
	_ =	strace s9  }
0x27: {  	s1 =	sld [smem:$0x3FAF]  }
0x28: {  	s2 =	sld [smem:$0x3FB0]  }
0x29: {  	s4 =	sld [smem:$0x3FB2]  }
0x2a: {  	p0 =	seq.s32 s5, $0x0;
	s5 =	sld [smem:$0x3FB3]  }
0x2b: {  	s6 =	sld [smem:$0x3FB4]  }
0x2c: {  	s7 =	sld [smem:$0x3FB5]  }
0x2d: {  	s3 =	simm.s32 $0x108;
	s8 =	sld [smem:$0x3FB6]  }
0x2e: {  	s3 =	simm.s32 @!p0 $0x1082;
	s9 =	sld [smem:$0x3FB7]  }
0x2f: {  	lr =	sadd.s32 s0, s3;
	s0 =	sld [smem:$0x3FAE]  }
0x30: {  	s3 =	sld [smem:$0x3FB1]  }
0x31: {  	[smem:$0x3FBA] =	sst s10  }
0x32: {  	s10 =	sld [smem:$0x3FB8];
	_ =	sdelay $0x3  }
0x33: {  	p0 =	seq.s32 s10, $0x1;
	s10 =	sld [smem:$0x3FBA];
	_ =	sdelay $0x3  }
0x34: {  	[smem:$0x3FBA] =	sst s10  }
0x35: {  	s10 =	sld [smem:$0x3FB9];
	_ =	sdelay $0x3  }
0x36: {  	p1 =	seq.s32 s10, $0x1;
	s10 =	sld [smem:$0x3FBA];
	_ =	sdelay $0x3  }
0x37: {  	[smem:$0x3FBA] =	sst s10  }
0x38: {  	s10 =	sld [smem:$0x3FBB]  }
0x39: {  	_ = 	snop;
	(pc) =	sbr.ind lr, $3  }
0x3a: {  	_ = 	snop  }
0x3b: {  	_ = 	snop  }
0x3c: {  	p2 =	seq.s32 s10, $0x1;
	s10 =	sld [smem:$0x3FBA]  }
0x3d: {  	_ =	shalt  }
0x3e: {  	_ =	shalt  }
0x3f: {  	_ =	shalt  }
0x40: {  	_ =	shalt  }
0x41: {  	_ =	shalt  }
0x42: {  	_ =	shalt  }
0x43: {  	_ =	shalt  }
0x44: {  	_ =	shalt  }
0x45: {  	_ =	shalt  }
0x46: {  	_ =	shalt  }
0x47: {  	_ =	shalt  }
0x48: {  	_ =	shalt  }
0x49: {  	_ =	shalt  }
0x4a: {  	_ =	shalt  }
0x4b: {  	_ =	shalt  }
0x4c: {  	_ =	shalt  }
0x4d: {  	_ =	shalt  }
0x4e: {  	_ =	shalt  }
0x4f: {  	_ =	shalt  }
0x50: {  	_ =	shalt  }
0x51: {  	_ =	shalt  }
0x52: {  	_ =	shalt  }
0x53: {  	_ =	shalt  }
0x54: {  	_ =	shalt  }
0x55: {  	_ =	shalt  }
0x56: {  	_ =	shalt  }
0x57: {  	_ =	shalt  }
0x58: {  	_ =	shalt  }
0x59: {  	_ =	shalt  }
0x5a: {  	_ =	shalt  }
0x5b: {  	_ =	shalt  }
0x5c: {  	_ =	shalt  }
0x5d: {  	_ =	shalt  }
0x5e: {  	_ =	shalt  }
0x5f: {  	_ =	shalt  }
0x60: {  	_ =	shalt  }
0x61: {  	_ =	shalt  }
0x62: {  	_ =	shalt  }
0x63: {  	_ =	shalt  }
0x64: {  	_ =	shalt  }
0x65: {  	_ =	shalt  }
0x66: {  	_ =	shalt  }
0x67: {  	_ =	shalt  }
0x68: {  	_ =	shalt  }
0x69: {  	_ =	shalt  }
0x6a: {  	_ =	shalt  }
0x6b: {  	_ =	shalt  }
0x6c: {  	_ =	shalt  }
0x6d: {  	_ =	shalt  }
0x6e: {  	_ =	shalt  }
0x6f: {  	_ =	shalt  }
0x70: {  	_ =	shalt  }
0x71: {  	_ =	shalt  }
0x72: {  	_ =	shalt  }
0x73: {  	_ =	shalt  }
0x74: {  	_ =	shalt  }
0x75: {  	_ =	shalt  }
0x76: {  	_ =	shalt  }
0x77: {  	_ =	shalt  }
0x78: {  	_ =	shalt  }
0x79: {  	_ =	shalt  }
0x7a: {  	_ =	shalt  }
0x7b: {  	_ =	shalt  }
0x7c: {  	_ =	shalt  }
0x7d: {  	_ =	shalt  }
0x7e: {  	_ =	shalt  }
0x7f: {  	_ =	shalt  }
0x80: {  	_ =	shalt  }
0x81: {  	_ =	shalt  }
0x82: {  	_ =	shalt  }
0x83: {  	_ =	shalt  }
0x84: {  	_ =	shalt  }
0x85: {  	_ =	shalt  }
0x86: {  	_ =	shalt  }
0x87: {  	_ =	shalt  }
.Lfunc_end0:
.L_simem_size_0:
called_computation_lowered:
.L_overlay_start_0:
0x88: {  	s2 =	sld [smem:$0x3FD9]  }
0x89: {  	s3 =	sld [smem:$0x3FFE];
	_ =	sdelay $0x1  }
0x8a: {  	s1 =	srdreg.scid  }
0x8b: {  	s0 =	sand.u32 $0x1, s1  }
0x8c: {  	s17 =	sshll.u32 s0, $0xA;
	s2 =	sadd.s32 s3, s2  }
0x8d: {  	s2 =	sadd.s32 s2, s17  }
0x8e: {  	[smem:$0x3FC6] =	sst s2  }
0x8f: {  	_ = 	snop  }
0x90: {  	s2 =	sld [smem:$0x3FD0];
	(tm) =	ssettm $0x1  }
0x91: {  	s18 =	sld [smem:$0x3FFB];
	_ =	sdelay $0x3  }
0x92: {  	_ =	strace s18  }
0x93: {  	s3 =	sld [smem:$0x3FFC];
	_ =	sdelay $0x3  }
0x94: {  	_ =	strace s3  }
0x95: {  	s3 =	sld [smem:$0x3FFD];
	_ =	sdelay $0x3  }
0x96: {  	_ =	strace s3  }
0x97: {  	_ =	strace $0x8FFFFFFF  }
0x98: {  	s19 =	sld [smem:$0x3FDB];
	_ =	sdelay $0x1  }
0x99: {  	s4 =	simm.s32 $_scs_section_size  }
0x9a: {  	s5 =	simm.s32 $_size__tile_overlayer_lowered;
	s6 =	simm.s32 $_tile_overlayer_lowered  }
0x9b: {  	s22 =	simm.s32 $0x1BFF;
	s21 =	sshll.u32 s6, $0x1;
	s3 =	sadd.s32 s4, s19  }
0x9c: {  	s7 =	simm.s32 $0x0;
	s20 =	sshll.u32 s5, $0x1;
	s5 =	sadd.s32 s21, s3  }
0x9d: {  	[timem:s7], [sflag:s22] =	dma.local [hbm:s5], s20  }
0x9e: {  	_ =	swait.ge [sflag:s22], s20  }
0x9f: {  	s4 =	ssub.s32 $0x0, s20;
	[sflag:s22] =	ssyncset.done $0x0  }
0xa0: {  	[sflag:s22] =	ssyncadd.s32 s4;
	_ =	sdelay $0x1  }
0xa1: {  	s23 =	simm.s32 $0x1B8B  }
0xa2: {  	_ =	swait.ge [sflag:s23], $0x1  }
0xa3: {  	[sflag:s23] =	ssyncset.done $0x0  }
0xa4: {  	s25 =	simm.s32 $0x1B8E;
	s24 =	sld [smem:$0x3FFE];
	[sflag:s23] =	ssyncadd.s32 $0xFFFFFFFF  }
0xa5: {  	s26 =	simm.s32 $execute0_lowered;
	[smem:$0x3FD2] =	sst s25  }
0xa6: {  	s5 =	sshll.u32 s26, $0x1;
	_ =	strace $0x80000046;
	[dreg:$0x1] =	wrdreg $0xFFFFFFFF  }
0xa7: {  	s28 =	simm.s32 $_size_execute0_lowered;
	s3 =	sadd.s32 s3, s5;
	[dreg:$0x0] =	wrdreg $0x0  }
0xa8: {  	s5 =	sshll.u32 s28, $0x1;
	[dreg:$0x2] =	wrdreg s3  }
0xa9: {  	[dreg:$0x3] =	wrdreg s5  }
0xaa: {  	[dreg:$0x4] =	wrdreg $0xC0  }
0xab: {  	_ =	task [dreg:s7], $0x5FFFF  }
0xac: {  	[dreg:$0x1] =	wrdreg $0xFFFFFFFF  }
0xad: {  	[dreg:$0x0] =	wrdreg $0x60  }
0xae: {  	[dreg:$0x2] =	wrdreg s24  }
0xaf: {  	[dreg:$0x3] =	wrdreg s2  }
0xb0: {  	[dreg:$0x4] =	wrdreg $0x9  }
0xb1: {  	_ =	task.clear_ibuf [dreg:s7], $0x5FFFF;
	_ =	strace $0x90000046  }
0xb2: {  	s29 =	simm.s32 $0x9;
	_ =	strace $0x80000048  }
0xb3: {  	_ =	swait.ge [sflag:s29], $0x1  }
0xb4: {  	[sflag:s29] =	ssyncadd.s32 $0xFFFFFFFF  }
0xb5: {  	_ =	strace $0x90000048  }
0xb6: {  	_ =	sfence  }
0xb7: {  	s30 =	sld [smem:$0x0];
	_ =	sdelay $0x2  }
0xb8: {  	s31 =	sshll.u32 s1, $0xD;
	s1 =	sshrl.u32 s1, $0x2  }
0xb9: {  	s3 =	sand.u32 $0x4000, s31;
	s1 =	sadd.s32 s1, s30  }
0xba: {  	s0 =	sor.u32 s3, s0;
	s1 =	sshll.u32 s1, $0x11  }
0xbb: {  	s0 =	sor.u32 s1, s0  }
0xbc: {  	s0 =	sadd.s32 $0x8F2B, s0  }
0xbd: {  	[sflag:s0] =	ssyncadd.remote.s32 $0x1  }
0xbe: {  	_ =	sfence.sel $0xFFFF  }
0xbf: {  	[dreg:$0x0] =	wrdreg $0xFFFFFFFF;
	(pc) =	sbr.abs _section_cstart, $3  }
0xc0: {  	[dreg:$0x1] =	wrdreg $0xFFFFFFFF  }
0xc1: {  	_ =	task.clear_ibuf [dreg:s7], $0x2FFFF;
	_ =	strace $0x9FFFFFFF  }
0xc2: {  	(tm) =	ssettm $0x7FFFFFFF  }
0xc3: {  	_ =	shalt  }
tec
execute0_lowered:
.L_overlay_start_1:
0x0: {  	(tag) =	ssettag $0x1  }
0x1: {  	s0 =	srdreg.scid  }
0x2: {  	s2 =	stileid.u32;
	s5 =	rddreg [dreg:$0x0];
	s13 =	simm.s32 $0x80  }
0x3: {  	s14 =	simm.s32 $0x400;
	s15 =	simm.s32 $0x3;
	s17 =	simm.s32 $0x1800  }
0x4: {  	s18 =	simm.s32 $0x2400;
	s19 =	simm.s32 $0x3000;
	s20 =	simm.s32 $0x3C00  }
0x5: {  	s29 =	simm.s32 $0xA000;
	s30 =	simm.s32 $0x1;
	s31 =	simm.s32 $0x2  }
0x6: {  	s0 =	sand.u32 $0x1, s0;
	s1 =	sshll.u32 s2, $0x1;
	s3 =	sshrl.u32 s2, $0x2  }
0x7: {  	s2 =	rddreg [dreg:$0x1];
	s1 =	sor.u32 s0, s1;
	s4 =	smul.u32 $0x6000, s3  }
0x8: {  	s3 =	simm.s32 $0x0;
	s0 =	ssub.s32 $0x2, s0;
	s6 =	sshll.u32 s1, $0x7  }
0x9: {  	[smem:$0x7FF] =	sst s3;
	s7 =	sshrl.u32 s0, $0x1;
	s6 =	sand.u32 $0x380, s6  }
0xa: {  	_ =	strace $0x80000047;
	s0 =	ssub.s32 s0, s7;
	s4 =	sor.u32 s4, s6  }
0xb: {  	s12 =	smax.u32 s0, $0x1;
	s6 =	sshrl.u32 s4, $0x3;
	s4 =	sadd.s32 $0x18600, s5  }
0xc: {  	v2 =	vlaneseq.u32;
	s11 =	sadd.s32 s6, s5;
	s5 =	smul.u32 $0xC00, s1;
	s1 =	simm.s32 $0x0  }
0xd: {  	vm0 =	vmmov $0xffff;
	v1 =	vshrl.u32 v2, $0x3;
	s6 =	sadd.s32 $0x2B600, s11;
	s7 =	sadd.s32 $0x28600, s11;
	s8 =	sadd.s32 $0x6C00, s11  }
0xe: {  	v0 =	vand.u32 $0x7, v2;
	v2 =	vor.u32 $0x8, v2;
	v1 =	vmul.u32 $0x8, v1;
	s9 =	sadd.s32 $0x3C00, s11;
	s10 =	sadd.s32 $0x9C00, s11;
	s11 =	sadd.s32 $0xC00, s11  }
.LBB2_1:
0xf: {  	[tilespmem:s3], [sflag:$0x3] =	stream.strided.gather [hbm4b:s6+s13], $0xC00, s14, s13, $0x38;
	[tilespmem:$0x10800] =	vst v63  }
0x10: {  	_ =	swait.ge [sflag:s15], $0xC00  }
0x11: {  	[sflag:s15] =	ssyncset.done $0x0  }
0x12: {  	s0 =	simm.s32 $0xC00;
	[sflag:s15] =	ssyncadd.s32 $0xFFFFF400  }
0x13: {  	[tilespmem:s0], [sflag:$0x3] =	stream.strided.gather [hbm4b:s7+s13], $0xC00, s14, s13, $0x38;
	[tilespmem:$0x10800] =	vst v63  }
0x14: {  	_ =	swait.ge [sflag:s15], $0xC00  }
0x15: {  	[sflag:s15] =	ssyncset.done $0x0  }
0x16: {  	[sflag:s15] =	ssyncadd.s32 $0xFFFFF400  }
0x17: {  	[tilespmem:s17], [sflag:$0x3] =	stream.strided.gather [hbm4b:s8+s13], $0xC00, s14, s13, $0x38;
	[tilespmem:$0x10800] =	vst v63  }
0x18: {  	_ =	swait.ge [sflag:s15], $0xC00  }
0x19: {  	[sflag:s15] =	ssyncset.done $0x0  }
0x1a: {  	[sflag:s15] =	ssyncadd.s32 $0xFFFFF400  }
0x1b: {  	[tilespmem:s18], [sflag:$0x3] =	stream.strided.gather [hbm4b:s9+s13], $0xC00, s14, s13, $0x38;
	[tilespmem:$0x10800] =	vst v63  }
0x1c: {  	_ =	swait.ge [sflag:s15], $0xC00  }
0x1d: {  	[sflag:s15] =	ssyncset.done $0x0  }
0x1e: {  	[sflag:s15] =	ssyncadd.s32 $0xFFFFF400  }
0x1f: {  	[tilespmem:s19], [sflag:$0x3] =	stream.strided.gather [hbm4b:s10+s13], $0xC00, s14, s13, $0x38;
	[tilespmem:$0x10800] =	vst v63  }
0x20: {  	_ =	swait.ge [sflag:s15], $0xC00  }
0x21: {  	[sflag:s15] =	ssyncset.done $0x0  }
0x22: {  	[sflag:s15] =	ssyncadd.s32 $0xFFFFF400  }
0x23: {  	[tilespmem:s20], [sflag:$0x3] =	stream.strided.gather [hbm4b:s11+s13], $0xC00, s14, s13, $0x38;
	[tilespmem:$0x10800] =	vst v63  }
0x24: {  	_ =	swait.ge [sflag:s15], $0xC00  }
0x25: {  	[sflag:s15] =	ssyncset.done $0x0  }
0x26: {  	[sflag:s15] =	ssyncadd.s32 $0xFFFFF400  }
0x27: {  	v3 =	vld [tilespmem:$0x0];
	_ =	sdelay $0x4  }
0x28: {  	v4 =	vshll.u32 v3, $0x1  }
0x29: {  	v3 =	vand.u32 $0x7, v3;
	v4 =	vand.u32 $0xFFFFFFF0, v4  }
0x2a: {  	v3 =	vor.u32 v3, v4  }
0x2b: {  	v4 =	vperm.xlane v3, v0;
	_ =	sdelay $0x1  }
0x2c: {  	v3 =	vperm.xlane v3, v2;
	v4 =	vadd.s32 v1, v4;
	_ =	sdelay $0x1  }
0x2d: {  	v3 =	vadd.s32 v1, v3;
	_ =	sdelay $0x1  }
0x2e: {  	s21 =	simm.s32 $0x4800  }
0x2f: {  	[tilespmem:s21], [sflag:$0x1] =	stream.indirect_vreg.gather [hbm4b:s4+s3], $0x80, v4, vm0, $0xb8;
	[tilespmem:$0x10800] =	vst v63  }
0x30: {  	s22 =	simm.s32 $0x5000  }
0x31: {  	[tilespmem:s22], [sflag:$0x1] =	stream.indirect_vreg.gather [hbm4b:s4+s3], $0x80, v3, vm0, $0xb8;
	[tilespmem:$0x10800] =	vst v63  }
0x32: {  	v3 =	vld [tilespmem:$0x10];
	_ =	sdelay $0x4  }
0x33: {  	v61 =	vshll.u32 v3, $0x1  }
0x34: {  	v3 =	vand.u32 $0x7, v3;
	v4 =	vand.u32 $0xFFFFFFF0, v61  }
0x35: {  	v3 =	vor.u32 v3, v4  }
0x36: {  	v4 =	vperm.xlane v3, v0;
	_ =	sdelay $0x1  }
0x37: {  	v3 =	vperm.xlane v3, v2;
	v4 =	vadd.s32 v1, v4;
	_ =	sdelay $0x1  }
0x38: {  	v3 =	vadd.s32 v1, v3;
	_ =	sdelay $0x1  }
0x39: {  	s23 =	simm.s32 $0x5800  }
0x3a: {  	[tilespmem:s23], [sflag:$0x1] =	stream.indirect_vreg.gather [hbm4b:s4+s3], $0x80, v4, vm0, $0xb8;
	[tilespmem:$0x10800] =	vst v63  }
0x3b: {  	s24 =	simm.s32 $0x6000  }
0x3c: {  	[tilespmem:s24], [sflag:$0x1] =	stream.indirect_vreg.gather [hbm4b:s4+s3], $0x80, v3, vm0, $0xb8;
	[tilespmem:$0x10800] =	vst v63  }
0x3d: {  	v3 =	vld [tilespmem:$0xC00];
	_ =	sdelay $0x4  }
0x3e: {  	v62 =	vshll.u32 v3, $0x1  }
0x3f: {  	v3 =	vand.u32 $0x7, v3;
	v4 =	vand.u32 $0xFFFFFFF0, v62  }
0x40: {  	v3 =	vor.u32 v3, v4  }
0x41: {  	v4 =	vperm.xlane v3, v0;
	_ =	sdelay $0x1  }
0x42: {  	v3 =	vperm.xlane v3, v2;
	v4 =	vadd.s32 v1, v4;
	_ =	sdelay $0x1  }
0x43: {  	v3 =	vadd.s32 v1, v3;
	_ =	sdelay $0x1  }
0x44: {  	s25 =	simm.s32 $0x8800  }
0x45: {  	[tilespmem:s25], [sflag:$0x1] =	stream.indirect_vreg.gather [hbm4b:s4+s3], $0x80, v4, vm0, $0xb8;
	[tilespmem:$0x10800] =	vst v63  }
0x46: {  	s26 =	simm.s32 $0x9000  }
0x47: {  	[tilespmem:s26], [sflag:$0x1] =	stream.indirect_vreg.gather [hbm4b:s4+s3], $0x80, v3, vm0, $0xb8;
	[tilespmem:$0x10800] =	vst v63  }
0x48: {  	v3 =	vld [tilespmem:$0xC10];
	_ =	sdelay $0x4  }
0x49: {  	v63 =	vshll.u32 v3, $0x1  }
0x4a: {  	v3 =	vand.u32 $0x7, v3;
	v4 =	vand.u32 $0xFFFFFFF0, v63  }
0x4b: {  	v3 =	vor.u32 v3, v4  }
0x4c: {  	v4 =	vperm.xlane v3, v0;
	_ =	sdelay $0x1  }
0x4d: {  	v3 =	vperm.xlane v3, v2;
	v4 =	vadd.s32 v1, v4;
	_ =	sdelay $0x1  }
0x4e: {  	v3 =	vadd.s32 v1, v3;
	_ =	sdelay $0x1  }
0x4f: {  	s28 =	simm.s32 $0x9800  }
0x50: {  	[tilespmem:s28], [sflag:$0x1] =	stream.indirect_vreg.gather [hbm4b:s4+s3], $0x80, v4, vm0, $0xb8;
	[tilespmem:$0x10800] =	vst v63  }
0x51: {  	s16 =	simm.s32 $0x0;
	s24 =	simm.s32 $0x0  }
0x52: {  	[tilespmem:s29], [sflag:$0x1] =	stream.indirect_vreg.gather [hbm4b:s4+s3], $0x80, v3, vm0, $0xb8;
	[tilespmem:$0x10800] =	vst v63  }
.LBB2_2:
0x53: {  	s0 =	smov.u32 s16  }
0x54: {  	s16 =	sadd.s32 $0x1, s16;
	p0 =	seq.s32 s0, $0x5F  }
0x55: {  	s21 =	sshll.u32 @!p0 s16, $0x5  }
0x56: {  	v3 =	vld @!p0 [tilespmem:s21+$0x0];
	_ =	sdelay $0x4  }
0x57: {  	v4 =	vshll.u32 @!p0 v3, $0x1  }
0x58: {  	v5 =	vlaneseq.u32 @!p0;
	v3 =	vand.u32 @!p0 $0x7, v3;
	v4 =	vand.u32 @!p0 $0xFFFFFFF0, v4  }
0x59: {  	v6 =	vshrl.u32 @!p0 v5, $0x3;
	v3 =	vor.u32 @!p0 v3, v4;
	v4 =	vand.u32 @!p0 $0x7, v5  }
0x5a: {  	v6 =	vmul.u32 @!p0 $0x8, v6;
	v7 =	vperm.xlane @!p0 v3, v4  }
0x5b: {  	v5 =	vor.u32 @!p0 $0x8, v5  }
0x5c: {  	v3 =	vperm.xlane @!p0 v3, v5;
	v7 =	vadd.s32 @!p0 v6, v7;
	_ =	sdelay $0x1  }
0x5d: {  	s22 =	sand.u32 $0x1, s0;
	v3 =	vadd.s32 @!p0 v6, v3  }
0x5e: {  	s23 =	sshll.u32 @!p0 s22, $0xD  }
0x5f: {  	vm1 =	vmmov @!p0 $0xffff;
	s26 =	simm.s32 @!p0 $0x0;
	s25 =	sxor.u32 @!p0 $0x6800, s23  }
0x60: {  	[tilespmem:s25], [sflag:$0x1] =	stream.indirect_vreg.gather @!p0 [hbm4b:s4+s26], $0x80, v7, vm1, $0xb8;
	[tilespmem:$0x10800] =	vst v63  }
0x61: {  	s25 =	sxor.u32 @!p0 $0x7000, s23  }
0x62: {  	[tilespmem:s25], [sflag:$0x1] =	stream.indirect_vreg.gather @!p0 [hbm4b:s4+s26], $0x80, v3, vm1, $0xb8;
	[tilespmem:$0x10800] =	vst v63  }
0x63: {  	v3 =	vld @!p0 [tilespmem:s21+$0x10];
	_ =	sdelay $0x4  }
0x64: {  	v7 =	vshll.u32 @!p0 v3, $0x1  }
0x65: {  	v3 =	vand.u32 @!p0 $0x7, v3;
	v7 =	vand.u32 @!p0 $0xFFFFFFF0, v7  }
0x66: {  	v3 =	vor.u32 @!p0 v3, v7  }
0x67: {  	v7 =	vperm.xlane @!p0 v3, v4;
	_ =	sdelay $0x1  }
0x68: {  	v3 =	vperm.xlane @!p0 v3, v5;
	v7 =	vadd.s32 @!p0 v6, v7;
	_ =	sdelay $0x1  }
0x69: {  	v3 =	vadd.s32 @!p0 v6, v3;
	_ =	sdelay $0x1  }
0x6a: {  	s25 =	sxor.u32 @!p0 $0x7800, s23  }
0x6b: {  	[tilespmem:s25], [sflag:$0x1] =	stream.indirect_vreg.gather @!p0 [hbm4b:s4+s26], $0x80, v7, vm1, $0xb8;
	[tilespmem:$0x10800] =	vst v63  }
0x6c: {  	s25 =	ssub.s32 @!p0 $0x8000, s23  }
0x6d: {  	[tilespmem:s25], [sflag:$0x1] =	stream.indirect_vreg.gather @!p0 [hbm4b:s4+s26], $0x80, v3, vm1, $0xb8;
	[tilespmem:$0x10800] =	vst v63  }
0x6e: {  	v3 =	vld @!p0 [tilespmem:s21+$0xC00];
	_ =	sdelay $0x4  }
0x6f: {  	v7 =	vshll.u32 @!p0 v3, $0x1  }
0x70: {  	v3 =	vand.u32 @!p0 $0x7, v3;
	v7 =	vand.u32 @!p0 $0xFFFFFFF0, v7  }
0x71: {  	v3 =	vor.u32 @!p0 v3, v7  }
0x72: {  	v7 =	vperm.xlane @!p0 v3, v4;
	_ =	sdelay $0x1  }
0x73: {  	v3 =	vperm.xlane @!p0 v3, v5;
	v7 =	vadd.s32 @!p0 v6, v7;
	_ =	sdelay $0x1  }
0x74: {  	v3 =	vadd.s32 @!p0 v6, v3;
	_ =	sdelay $0x1  }
0x75: {  	s25 =	sxor.u32 @!p0 $0xA800, s23  }
0x76: {  	[tilespmem:s25], [sflag:$0x1] =	stream.indirect_vreg.gather @!p0 [hbm4b:s4+s26], $0x80, v7, vm1, $0xb8;
	[tilespmem:$0x10800] =	vst v63  }
0x77: {  	s25 =	sxor.u32 @!p0 $0xB000, s23  }
0x78: {  	[tilespmem:s25], [sflag:$0x1] =	stream.indirect_vreg.gather @!p0 [hbm4b:s4+s26], $0x80, v3, vm1, $0xb8;
	[tilespmem:$0x10800] =	vst v63  }
0x79: {  	v3 =	vld @!p0 [tilespmem:s21+$0xC10];
	_ =	sdelay $0x4  }
0x7a: {  	v7 =	vshll.u32 @!p0 v3, $0x1  }
0x7b: {  	v3 =	vand.u32 @!p0 $0x7, v3;
	v7 =	vand.u32 @!p0 $0xFFFFFFF0, v7  }
0x7c: {  	v3 =	vor.u32 @!p0 v3, v7  }
0x7d: {  	v4 =	vperm.xlane @!p0 v3, v4;
	_ =	sdelay $0x1  }
0x7e: {  	v3 =	vperm.xlane @!p0 v3, v5;
	v4 =	vadd.s32 @!p0 v6, v4;
	_ =	sdelay $0x1  }
0x7f: {  	v3 =	vadd.s32 @!p0 v6, v3;
	_ =	sdelay $0x1  }
0x80: {  	s21 =	sxor.u32 @!p0 $0xB800, s23  }
0x81: {  	[tilespmem:s21], [sflag:$0x1] =	stream.indirect_vreg.gather @!p0 [hbm4b:s4+s26], $0x80, v4, vm1, $0xb8;
	[tilespmem:$0x10800] =	vst v63  }
0x82: {  	s21 =	ssub.s32 @!p0 $0xC000, s23  }
0x83: {  	[tilespmem:s21], [sflag:$0x1] =	stream.indirect_vreg.gather @!p0 [hbm4b:s4+s26], $0x80, v3, vm1, $0xb8;
	[tilespmem:$0x10800] =	vst v63  }
0x84: {  	_ =	swait.ge [sflag:s30], $0x2000  }
0x85: {  	[sflag:s30] =	ssyncset.done $0x0  }
0x86: {  	[sflag:s30] =	ssyncadd.s32 $0xFFFFE000  }
0x87: {  	_ =	swait.ge [sflag:s30], $0x2000  }
0x88: {  	p0 =	slt.u32 s0, $0x2;
	[sflag:s30] =	ssyncset.done $0x0  }
0x89: {  	s0 =	sshll.u32 s0, $0x5;
	s23 =	simm.s32 @!p0 $0x2;
	[sflag:s30] =	ssyncadd.s32 $0xFFFFE000  }
0x8a: {  	s22 =	sshll.u32 s22, $0xD;
	s0 =	sadd.s32 s5, s0;
	_ =	swait.ge @!p0 [sflag:s23], $0x2000  }
0x8b: {  	s25 =	simm.s32 $0x0;
	s21 =	smin.u32 s0, $0x17EB0;
	[sflag:s23] =	ssyncset.done @!p0 $0x0  }
0x8c: {  	s0 =	smov.u32 s24;
	[sflag:s23] =	ssyncadd.s32 @!p0 $0xFFFFE000;
	s23 =	simm.s32 $0x0  }
.LBB2_3:
0x8d: {  	s26 =	sand.u32 $0x1800, s25  }
0x8e: {  	s28 =	sand.u32 $0x380, s23;
	s26 =	sor.u32 s22, s26  }
0x8f: {  	s26 =	sor.u32 s28, s26  }
0x90: {  	v7 =	vld [tilespmem:s26+$0x4800]  }
0x91: {  	v8 =	vld [tilespmem:s26+$0x4C00]  }
0x92: {  	v9 =	vld [tilespmem:s26+$0x8800]  }
0x93: {  	v12 =	vld [tilespmem:s26+$0x8C00]  }
0x94: {  	v13 =	vld [tilespmem:s26+$0x4810]  }
0x95: {  	v15 =	vld [tilespmem:s26+$0x4C10]  }
0x96: {  	v24 =	vld [tilespmem:s26+$0x8810]  }
0x97: {  	v28 =	vld [tilespmem:s26+$0x8C10]  }
0x98: {  	v18 =	vld [tilespmem:s26+$0x4820]  }
0x99: {  	v31 =	vld [tilespmem:s26+$0x4C20]  }
0x9a: {  	v32 =	vld [tilespmem:s26+$0x8820]  }
0x9b: {  	v3 =	vmov s0;
	v35 =	vld [tilespmem:s26+$0x8C20]  }
0x9c: {  	v38 =	vld [tilespmem:s26+$0x4830]  }
0x9d: {  	v40 =	vld [tilespmem:s26+$0x4C30]  }
0x9e: {  	v42 =	vld [tilespmem:s26+$0x8830];
	v10 =	vunpack.i.u.bf16.f32 v7  }
0x9f: {  	v21 =	vld [tilespmem:s26+$0x8C30];
	v7 =	vunpack.i.l.bf16.f32 v7;
	v11 =	vunpack.i.l.bf16.f32 v8;
	v8 =	vunpack.i.u.bf16.f32 v8  }
0xa0: {  	v6 =	vld.idx.msk [tilespmem:v3+s17+$0x0], $0xffff;
	v14 =	vunpack.i.l.bf16.f32 v9;
	v9 =	vunpack.i.u.bf16.f32 v9;
	v25 =	vunpack.i.u.bf16.f32 v12  }
0xa1: {  	v5 =	vld.idx.msk [tilespmem:v3+s18+$0x0], $0xffff;
	v12 =	vunpack.i.l.bf16.f32 v12;
	v29 =	vunpack.i.u.bf16.f32 v13;
	v13 =	vunpack.i.l.bf16.f32 v13  }
0xa2: {  	v4 =	vld.idx.msk [tilespmem:v3+s19+$0x0], $0xffff;
	v16 =	vunpack.i.l.bf16.f32 v15;
	v15 =	vunpack.i.u.bf16.f32 v15;
	v17 =	vunpack.i.l.bf16.f32 v24  }
0xa3: {  	v3 =	vld.idx.msk [tilespmem:v3+s20+$0x0], $0xffff;
	v19 =	vunpack.i.l.bf16.f32 v28;
	v36 =	vunpack.i.l.bf16.f32 v18;
	v37 =	vunpack.i.l.bf16.f32 v31  }
0xa4: {  	v39 =	vunpack.i.l.bf16.f32 v32;
	v18 =	vunpack.i.u.bf16.f32 v18;
	v20 =	vunpack.i.u.bf16.f32 v35  }
0xa5: {  	v49 =	vld [tilespmem:s26+$0x4840];
	v43 =	vunpack.i.l.bf16.f32 v38;
	v44 =	vunpack.i.l.bf16.f32 v40;
	v7 =	vmul.f32 v7, v6  }
0xa6: {  	v51 =	vld [tilespmem:s26+$0x4C40];
	v48 =	vunpack.i.l.bf16.f32 v42;
	v11 =	vmul.f32 v11, v5;
	v10 =	vmul.f32 v10, v6  }
0xa7: {  	v22 =	vunpack.i.l.bf16.f32 v21;
	v8 =	vmul.f32 v8, v5;
	v23 =	vmul.f32 v14, v4  }
0xa8: {  	v53 =	vunpack.i.u.bf16.f32 v42;
	v9 =	vmul.f32 v9, v4;
	v26 =	vmul.f32 v12, v3  }
0xa9: {  	v54 =	vunpack.i.u.bf16.f32 v21;
	v27 =	vmul.f32 v25, v3;
	v13 =	vmul.f32 v13, v6  }
0xaa: {  	v56 =	vunpack.i.u.bf16.f32 v49;
	v16 =	vmul.f32 v16, v5;
	v14 =	vmul.f32 v29, v6  }
0xab: {  	v58 =	vld [tilespmem:s26+$0x8C40];
	v57 =	vunpack.i.l.bf16.f32 v51;
	v15 =	vmul.f32 v15, v5;
	v30 =	vmul.f32 v17, v4  }
0xac: {  	v61 =	vld [tilespmem:s26+$0x4C50];
	v12 =	vunpack.i.u.bf16.f32 v28;
	v33 =	vmul.f32 v19, v3;
	v41 =	vmul.f32 v18, v6  }
0xad: {  	v17 =	vunpack.i.u.bf16.f32 v31;
	v45 =	vmul.f32 v43, v6;
	v46 =	vmul.f32 v44, v5  }
0xae: {  	v55 =	vld [tilespmem:s26+$0x8840];
	v47 =	vmul.f32 v20, v3;
	v50 =	vmul.f32 v48, v4;
	v19 =	vunpack.i.u.bf16.f32 v40  }
0xaf: {  	v22 =	vmul.f32 v22, v3;
	v20 =	vunpack.i.l.bf16.f32 v49;
	v21 =	vmul.f32 v57, v5  }
0xb0: {  	v59 =	vmul.f32 v56, v6;
	v18 =	vmul.f32 v54, v3;
	v28 =	vunpack.i.u.bf16.f32 v58  }
0xb1: {  	v25 =	vunpack.i.l.bf16.f32 v61;
	v34 =	vmul.f32 v12, v3;
	v17 =	vmul.f32 v17, v5  }
0xb2: {  	v63 =	vld [tilespmem:s26+$0x8850];
	v12 =	vunpack.i.l.bf16.f32 v35;
	v52 =	vmul.f32 v19, v5;
	v20 =	vmul.f32 v20, v6  }
0xb3: {  	v19 =	vunpack.i.l.bf16.f32 v55;
	v31 =	vmul.f32 v28, v3;
	v7 =	vadd.f32 v11, v7  }
0xb4: {  	v8 =	vadd.f32 v8, v10;
	v10 =	vunpack.i.u.bf16.f32 v24;
	v13 =	vadd.f32 v16, v13  }
0xb5: {  	v14 =	vadd.f32 v15, v14;
	v11 =	vmul.f32 v36, v6;
	v16 =	vmul.f32 v39, v4  }
0xb6: {  	v15 =	vunpack.i.u.bf16.f32 v32;
	v12 =	vmul.f32 v12, v3;
	v24 =	vunpack.i.u.bf16.f32 v55  }
0xb7: {  	v43 =	vld [tilespmem:s26+$0x4870];
	v19 =	vmul.f32 v19, v4;
	v36 =	vunpack.i.l.bf16.f32 v63;
	v10 =	vmul.f32 v10, v4  }
0xb8: {  	v15 =	vmul.f32 v15, v4;
	v20 =	vadd.f32 v21, v20;
	v62 =	vmul.f32 v24, v4  }
0xb9: {  	v35 =	vld [tilespmem:s26+$0x4C60];
	v21 =	vunpack.i.u.bf16.f32 v63;
	v7 =	vadd.f32 v23, v7;
	v8 =	vadd.f32 v9, v8  }
0xba: {  	v39 =	vld [tilespmem:s26+$0x8860];
	v13 =	vadd.f32 v30, v13;
	v42 =	vmul.f32 v21, v4;
	v10 =	vadd.f32 v10, v14  }
0xbb: {  	v14 =	vunpack.i.u.bf16.f32 v38;
	v19 =	vadd.f32 v19, v20;
	v20 =	vmul.f32 v36, v4  }
0xbc: {  	v21 =	vunpack.i.l.bf16.f32 v43;
	v7 =	vadd.f32 v26, v7;
	v8 =	vadd.f32 v27, v8  }
0xbd: {  	v56 =	vld [tilespmem:s26+$0x8C70];
	v9 =	vadd.f32 v33, v13;
	v13 =	vmul.f32 v37, v5;
	v14 =	vmul.f32 v14, v6  }
0xbe: {  	v23 =	vld [tilespmem:s26+$0x4850];
	v27 =	vunpack.i.l.bf16.f32 v35;
	v21 =	vmul.f32 v21, v6;
	v10 =	vadd.f32 v34, v10  }
0xbf: {  	v30 =	vld [tilespmem:s26+$0x8C50];
	v34 =	vmul.f32 v25, v5;
	v27 =	vmul.f32 v27, v5;
	v44 =	vunpack.i.l.bf16.f32 v39  }
0xc0: {  	v25 =	vunpack.i.u.bf16.f32 v35;
	v49 =	vunpack.i.u.bf16.f32 v39;
	v11 =	vadd.f32 v13, v11  }
0xc1: {  	v13 =	vadd.f32 v17, v41;
	v17 =	vunpack.i.u.bf16.f32 v51;
	v48 =	vmul.f32 v25, v5  }
0xc2: {  	v26 =	vld [tilespmem:s26+$0x4860];
	v14 =	vadd.f32 v52, v14;
	[tilespmem:s26+$0xC810] =	vst v8;
	v8 =	vmul.f32 v49, v4;
	v60 =	vmul.f32 v17, v5  }
0xc3: {  	v32 =	vunpack.i.l.bf16.f32 v23;
	v37 =	vunpack.i.u.bf16.f32 v23;
	v17 =	vunpack.i.u.bf16.f32 v61  }
0xc4: {  	v38 =	vunpack.i.l.bf16.f32 v30;
	[tilespmem:s26+$0xC830] =	vst v10;
	v10 =	vunpack.i.u.bf16.f32 v56;
	v11 =	vadd.f32 v16, v11  }
0xc5: {  	v13 =	vadd.f32 v15, v13;
	v15 =	vmul.f32 v53, v4;
	v33 =	vmul.f32 v32, v6  }
0xc6: {  	v52 =	vld [tilespmem:s26+$0x8870];
	v40 =	vmul.f32 v38, v3;
	v17 =	vmul.f32 v17, v5;
	v16 =	vunpack.i.u.bf16.f32 v30  }
0xc7: {  	v53 =	vunpack.i.u.bf16.f32 v43;
	v41 =	vunpack.i.l.bf16.f32 v26;
	v11 =	vadd.f32 v12, v11  }
0xc8: {  	v28 =	vld [tilespmem:s26+$0x8C60];
	v16 =	vmul.f32 v16, v3;
	v12 =	vadd.f32 v46, v45;
	v13 =	vadd.f32 v47, v13  }
0xc9: {  	v26 =	vunpack.i.u.bf16.f32 v26;
	v14 =	vadd.f32 v15, v14;
	v15 =	vadd.f32 v60, v59  }
0xca: {  	v23 =	vmul.f32 v41, v6;
	v47 =	vmul.f32 v26, v6;
	v60 =	vunpack.i.l.bf16.f32 v56  }
0xcb: {  	v45 =	vld [tilespmem:s26+$0x4C70];
	v57 =	vunpack.i.l.bf16.f32 v52;
	v59 =	vunpack.i.u.bf16.f32 v52;
	v12 =	vadd.f32 v50, v12  }
0xcc: {  	v61 =	vmul.f32 v60, v3;
	v15 =	vadd.f32 v62, v15;
	v14 =	vadd.f32 v18, v14  }
0xcd: {  	v18 =	vadd.f32 v34, v33;
	v23 =	vadd.f32 v27, v23;
	v50 =	vunpack.i.l.bf16.f32 v28  }
0xce: {  	v51 =	vmul.f32 v50, v3;
	v12 =	vadd.f32 v22, v12;
	v22 =	vunpack.i.l.bf16.f32 v58  }
0xcf: {  	[tilespmem:s26+$0xC800] =	vst v7;
	v15 =	vadd.f32 v31, v15;
	v18 =	vadd.f32 v20, v18;
	v58 =	vunpack.i.u.bf16.f32 v28  }
0xd0: {  	[tilespmem:s26+$0xC820] =	vst v9;
	v29 =	vmul.f32 v22, v3;
	v22 =	vmul.f32 v37, v6;
	v55 =	vunpack.i.l.bf16.f32 v45  }
0xd1: {  	[tilespmem:s26+$0xC840] =	vst v11;
	v54 =	vunpack.i.u.bf16.f32 v45;
	v6 =	vmul.f32 v53, v6;
	v11 =	vmul.f32 v55, v5  }
0xd2: {  	[tilespmem:s26+$0xC850] =	vst v13;
	v18 =	vadd.f32 v40, v18;
	v5 =	vmul.f32 v54, v5;
	v17 =	vadd.f32 v17, v22  }
0xd3: {  	[tilespmem:s26+$0xC870] =	vst v14;
	v19 =	vadd.f32 v29, v19;
	v22 =	vmul.f32 v44, v4;
	v11 =	vadd.f32 v11, v21  }
0xd4: {  	[tilespmem:s26+$0xC860] =	vst v12;
	v5 =	vadd.f32 v5, v6;
	v6 =	vmul.f32 v57, v4;
	v46 =	vadd.f32 v42, v17  }
0xd5: {  	[tilespmem:s26+$0xCC10] =	vst v15;
	v4 =	vmul.f32 v59, v4;
	v22 =	vadd.f32 v22, v23;
	v17 =	vadd.f32 v48, v47  }
0xd6: {  	v12 =	vmul.f32 v58, v3;
	[tilespmem:s26+$0xCC20] =	vst v18;
	v6 =	vadd.f32 v6, v11;
	v7 =	vadd.f32 v16, v46  }
0xd7: {  	p0 =	sne.s32 s25, $0x1F00;
	v3 =	vmul.f32 v10, v3;
	[tilespmem:s26+$0xCC00] =	vst v19;
	v4 =	vadd.f32 v4, v5;
	v9 =	vadd.f32 v51, v22  }
.Ltmp0:
0xd8: {  	v8 =	vadd.f32 v8, v17;
	v63 =	vadd.f32 v61, v6;
	[tilespmem:s26+$0xCC30] =	vst v7;
	(pc) =	sbr.rel @p0 .LBB2_3-.Ltmp0, $4  }
0xd9: {  	v3 =	vadd.f32 v3, v4;
	[tilespmem:s26+$0xCC40] =	vst v9  }
0xda: {  	v62 =	vadd.f32 v12, v8;
	[tilespmem:s26+$0xCC60] =	vst v63  }
0xdb: {  	[tilespmem:s26+$0xCC70] =	vst v3  }
0xdc: {  	s23 =	sadd.s32 $0x80, s23;
	s0 =	sadd.s32 $0x1, s0;
	s25 =	sadd.s32 $0x100, s25;
	[tilespmem:s26+$0xCC50] =	vst v62  }
0xdd: {  	p0 =	sne.s32 s16, $0x60  }
.Ltmp1:
0xde: {  	_ = 	snop;
	(pc) =	sbr.rel @p0 .LBB2_2-.Ltmp1, $4  }
0xdf: {  	_ = 	snop  }
0xe0: {  	s0 =	sshll.u32 s21, $0x5  }
0xe1: {  	s28 =	sor.u32 $0xC800, s22;
	s24 =	sadd.s32 $0x20, s24;
	s0 =	sadd.s32 s2, s0  }
0xe2: {  	[hbm4b:s0+s3] =	stream.linear.scatter [tilespmem:s28], [sflag:$0x2], $0x2000, $0x38;
	[tilespmem:$0x10800] =	vst v63  }
0xe3: {  	s1 =	sadd.s32 $0x1, s1  }
0xe4: {  	_ =	swait.ge [sflag:s31], $0x2000;
	p0 =	sne.s32 s1, s12  }
.Ltmp2:
0xe5: {  	[sflag:s31] =	ssyncset.done $0x0;
	(pc) =	sbr.rel @p0 .LBB2_1-.Ltmp2, $4  }
0xe6: {  	[sflag:s31] =	ssyncadd.s32 $0xFFFFE000  }
0xe7: {  	_ =	swait.ge [sflag:s31], $0x2000  }
0xe8: {  	[sflag:s31] =	ssyncset.done $0x0  }
0xe9: {  	[sflag:s31] =	ssyncadd.s32 $0xFFFFE000  }
0xea: {  	_ =	sfence.sel $0x180000  }
0xeb: {  	[bflag:$0x0] =	sbarrier.arrive $0xFFFF  }
0xec: {  	_ =	strace $0x90000047  }
0xed: {  	s0 =	stileid.u32;
	[bflag:$0x2] =	sbarrier.arrive $0xFFFF  }
0xee: {  	p0 =	sne.s32 s0, $0x0;
	s0 =	rddreg [dreg:$0x2]  }
0xef: {  	s0 =	sadd.s32 @!p0 $0x100000, s0  }
0xf0: {  	[sflag:s0] =	ssyncadd.tile.s32 @!p0 $0x1;
	_ =	shalt  }
.Lfunc_end2:
_tile_overlayer_lowered:
.L_overlay_start_2:
0xf1: {  	(tag) =	ssettag $0x2  }
0xf2: {  	s0 =	rddreg [dreg:$0x0];
	s2 =	stileid.u32  }
0xf3: {  	s1 =	rddreg [dreg:$0x1];
	p0 =	sne.s32 s2, $0x0  }
0xf4: {  	s3 =	rddreg [dreg:$0x2];
	[bflag:$0x3] =	sbarrier.arrive $0xFFFF;
	s2 =	simm.s32 @!p0 $0x1C03  }
0xf5: {  	[timem:s3], [sflag:s2] =	dma.local @!p0 [hbm:s0], s1  }
0xf6: {  	s0 =	simm.s32 @!p0 $0x3  }
0xf7: {  	_ =	swait.ge @!p0 [sflag:s0], s1  }
0xf8: {  	s1 =	ssub.s32 @!p0 $0x0, s1;
	[sflag:s0] =	ssyncset.done @!p0 $0x0  }
0xf9: {  	[sflag:s0] =	ssyncadd.s32 @!p0 s1  }
0xfa: {  	[bflag:$0x3] =	sbarrier.arrive $0xFFFF  }
0xfb: {  	_ =	shalt  }

</sc_bundles>
